<compile_context>
chip_gen: v7x
topology: tpu7x:2x2x1
jax: 0.10.2.dev20260603
libtpu: 0.0.44.dev20260713+nightly
codegen_flags: <defaults>
</compile_context>

<pallas_src>
import functools

import jax
import jax.numpy as jnp
from jax import lax
from jax.experimental import pallas as pl
from jax.experimental.pallas import tpu as pltpu
from jax.experimental.pallas import tpu_sc as plsc

N = 3200000
NC = 2
NS = 16
NW = NC * NS
LANES = 16

MS = 1024000
CHUNK = MS // NW
NSUB = 5
SUB = CHUNK // NSUB
UNROLL = 5
SITERS = SUB // (UNROLL * LANES)

MT = N - MS
TROWS = MT // 128
TGRID = 5
TBLK = TROWS // TGRID

_mesh = plsc.VectorSubcoreMesh(core_axis_name="c", subcore_axis_name="s")


@functools.partial(
    pl.kernel,
    out_type=jax.ShapeDtypeStruct((NC * 8,), jnp.float32),
    mesh=_mesh,
    scratch_types=[
        [pltpu.VMEM((SUB,), jnp.float32) for _ in range(NSUB)],
        pltpu.VMEM((LANES,), jnp.float32),
        pltpu.VMEM((NS, LANES), jnp.float32),
        pltpu.VMEM_SHARED((NS, LANES), jnp.float32),
        [pltpu.SemaphoreType.DMA for _ in range(NSUB)],
    ],
)
def _partial_sums(x_hbm, out_hbm, bufs, part, gather_buf, shared, sems):
    c = lax.axis_index("c")
    s = lax.axis_index("s")
    wid = s * NC + c
    base = MT + wid * CHUNK

    copies = [
        pltpu.make_async_copy(
            x_hbm.at[pl.ds(base + k * SUB, SUB)], bufs[k], sems[k]
        )
        for k in range(NSUB)
    ]
    for k in range(NSUB):
        copies[k].start()

    total = jnp.zeros((LANES,), jnp.float32)
    for k in range(NSUB):
        copies[k].wait()

        def body(i, accs, buf=bufs[k]):
            off = i * (UNROLL * LANES)
            return tuple(
                accs[j] + buf[pl.ds(off + j * LANES, LANES)]
                for j in range(UNROLL)
            )

        zero = jnp.zeros((LANES,), jnp.float32)
        accs = lax.fori_loop(0, SITERS, body, (zero,) * UNROLL)
        for j in range(UNROLL):
            total = total + accs[j]

    part[...] = total
    pltpu.sync_copy(part, shared.at[s])
    plsc.subcore_barrier()

    @pl.when(s == 0)
    def _():
        pltpu.sync_copy(shared, gather_buf)
        core_total = gather_buf[0, :]
        for i in range(1, NS):
            core_total = core_total + gather_buf[i, :]
        scalar = core_total[0]
        for i in range(1, LANES):
            scalar = scalar + core_total[i]
        part[...] = jnp.full((LANES,), scalar, jnp.float32)
        pltpu.sync_copy(part.at[pl.ds(0, 8)], out_hbm.at[pl.ds(c * 8, 8)])


def _tc_reduce_body(x_ref, out_ref, acc_ref):
    i = pl.program_id(0)

    @pl.when(i == 0)
    def _():
        acc_ref[...] = jnp.zeros_like(acc_ref)

    ones = jnp.ones((8, TBLK), jnp.float32)
    acc_ref[...] += jax.lax.dot(
        ones, x_ref[...], precision=jax.lax.Precision.HIGHEST
    )

    @pl.when(i == TGRID - 1)
    def _():
        out_ref[...] = jnp.sum(acc_ref[0:1, :]).reshape(1, 1)


_tc_reduce = pl.pallas_call(
    _tc_reduce_body,
    grid=(TGRID,),
    in_specs=[pl.BlockSpec((TBLK, 128), lambda i: (i, 0))],
    out_specs=pl.BlockSpec((1, 1), lambda i: (0, 0)),
    out_shape=jax.ShapeDtypeStruct((1, 1), jnp.float32),
    scratch_shapes=[pltpu.VMEM((8, 128), jnp.float32)],
)


def kernel(atomic_energy):
    x = atomic_energy.reshape(-1)
    core_totals = _partial_sums(x)
    tc_total = _tc_reduce(x.reshape(N // 128, 128))
    return core_totals[0:1].reshape(1, 1) + core_totals[8:9].reshape(1, 1) + tc_total

# --- scband reference (transcript-rebuilt; emitter-appended) ---
"""Pipeline reference for scband-atomwise-reduce-72146860638428 (READ-ONLY COPY).

The authoritative reference and input builder live on the scoring server;
editing this copy changes nothing except your own understanding.
"""

import jax, jax.numpy as jnp
import numpy as np

N = 3200000

def setup_inputs(seed: int = 0) -> dict:
    key = jax.random.key(seed)
    atomic_energy = jax.random.normal(key, (N, 1), dtype=jnp.float32)
    return {"atomic_energy": atomic_energy}

def reference(atomic_energy: jnp.ndarray) -> jnp.ndarray:
    # index = zeros(len(atomic_energy)) -> all atoms belong to segment 0
    index = jnp.zeros((atomic_energy.shape[0],), dtype=jnp.int32)
    total_energy = jax.ops.segment_sum(atomic_energy, index, num_segments=1)
    return total_energy

if __name__ == "__main__":
    import jax
    _d = setup_inputs()
    print(jax.jit(kernel)(*tuple(_d.values())))

</pallas_src>

<mosaic_0001>
#map = affine_map<(d0, d1) -> (0)>
module attributes {stable_mosaic.version = 14 : i64} {
  func.func @_partial_sums(%arg0: i32, %arg1: i32, %arg2: memref<3200000xf32, #tpu.memory_space<hbm>>, %arg3: memref<16xf32, #tpu.memory_space<hbm>>, %arg4: memref<6400xf32, #tpu.memory_space<vmem>>, %arg5: memref<6400xf32, #tpu.memory_space<vmem>>, %arg6: memref<6400xf32, #tpu.memory_space<vmem>>, %arg7: memref<6400xf32, #tpu.memory_space<vmem>>, %arg8: memref<6400xf32, #tpu.memory_space<vmem>>, %arg9: memref<16xf32, #tpu.memory_space<vmem>>, %arg10: memref<16x16xf32, #tpu.memory_space<vmem>>, %arg11: memref<16x16xf32, #tpu.memory_space<vmem_shared>>, %arg12: memref<!tpu.dma_semaphore, #tpu.memory_space<semaphore_mem>>, %arg13: memref<!tpu.dma_semaphore, #tpu.memory_space<semaphore_mem>>, %arg14: memref<!tpu.dma_semaphore, #tpu.memory_space<semaphore_mem>>, %arg15: memref<!tpu.dma_semaphore, #tpu.memory_space<semaphore_mem>>, %arg16: memref<!tpu.dma_semaphore, #tpu.memory_space<semaphore_mem>>) attributes {dimension_semantics = [#tpu.dimension_semantics<core_parallel>, #tpu.dimension_semantics<subcore_parallel>], iteration_bounds = array<i64: 2, 16>, scalar_prefetch = 0 : i64, scratch_operands = 13 : i64, tpu.core_type = #tpu.core_type<sc_vector_subcore>, window_params = [{transform_indices = #map}, {transform_indices = #map}]} {
    %mul3A = arith.constant 2 : i32
    %mul3A_0 = arith.muli %arg1, %mul3A : i32
    %add3A = arith.addi %mul3A_0, %arg0 : i32
    %mul3A_1 = arith.constant 32000 : i32
    %mul3A_2 = arith.muli %add3A, %mul3A_1 : i32
    %add3A_3 = arith.constant 2176000 : i32
    %add3A_4 = arith.addi %add3A_3, %mul3A_2 : i32
    %add3A_5 = arith.constant 0 : i32
    %add3A_6 = arith.addi %add3A_4, %add3A_5 : i32
    %add3A_7 = arith.constant 6400 : i32
    %add3A_8 = arith.addi %add3A_4, %add3A_7 : i32
    %add3A_9 = arith.constant 12800 : i32
    %add3A_10 = arith.addi %add3A_4, %add3A_9 : i32
    %add3A_11 = arith.constant 19200 : i32
    %add3A_12 = arith.addi %add3A_4, %add3A_11 : i32
    %add3A_13 = arith.constant 25600 : i32
    %add3A_14 = arith.addi %add3A_4, %add3A_13 : i32
    %dma_start3A = tpu.memref_slice %arg2[%add3A_6] : memref<3200000xf32, #tpu.memory_space<hbm>> -> memref<6400xf32, #tpu.memory_space<hbm>>
    %dma_start3A_15 = tpu.memref_slice %arg2[%add3A_6] : memref<3200000xf32, #tpu.memory_space<hbm>> -> memref<6400xf32, #tpu.memory_space<hbm>>
    tpu.enqueue_dma source(%dma_start3A_15 : memref<6400xf32, #tpu.memory_space<hbm>>) target(%arg4 : memref<6400xf32, #tpu.memory_space<vmem>>) target_semaphore(%arg12 : memref<!tpu.dma_semaphore, #tpu.memory_space<semaphore_mem>>)
    %dma_start3A_16 = tpu.memref_slice %arg2[%add3A_8] : memref<3200000xf32, #tpu.memory_space<hbm>> -> memref<6400xf32, #tpu.memory_space<hbm>>
    %dma_start3A_17 = tpu.memref_slice %arg2[%add3A_8] : memref<3200000xf32, #tpu.memory_space<hbm>> -> memref<6400xf32, #tpu.memory_space<hbm>>
    tpu.enqueue_dma source(%dma_start3A_17 : memref<6400xf32, #tpu.memory_space<hbm>>) target(%arg5 : memref<6400xf32, #tpu.memory_space<vmem>>) target_semaphore(%arg13 : memref<!tpu.dma_semaphore, #tpu.memory_space<semaphore_mem>>)
    %dma_start3A_18 = tpu.memref_slice %arg2[%add3A_10] : memref<3200000xf32, #tpu.memory_space<hbm>> -> memref<6400xf32, #tpu.memory_space<hbm>>
    %dma_start3A_19 = tpu.memref_slice %arg2[%add3A_10] : memref<3200000xf32, #tpu.memory_space<hbm>> -> memref<6400xf32, #tpu.memory_space<hbm>>
    tpu.enqueue_dma source(%dma_start3A_19 : memref<6400xf32, #tpu.memory_space<hbm>>) target(%arg6 : memref<6400xf32, #tpu.memory_space<vmem>>) target_semaphore(%arg14 : memref<!tpu.dma_semaphore, #tpu.memory_space<semaphore_mem>>)
    %dma_start3A_20 = tpu.memref_slice %arg2[%add3A_12] : memref<3200000xf32, #tpu.memory_space<hbm>> -> memref<6400xf32, #tpu.memory_space<hbm>>
    %dma_start3A_21 = tpu.memref_slice %arg2[%add3A_12] : memref<3200000xf32, #tpu.memory_space<hbm>> -> memref<6400xf32, #tpu.memory_space<hbm>>
    tpu.enqueue_dma source(%dma_start3A_21 : memref<6400xf32, #tpu.memory_space<hbm>>) target(%arg7 : memref<6400xf32, #tpu.memory_space<vmem>>) target_semaphore(%arg15 : memref<!tpu.dma_semaphore, #tpu.memory_space<semaphore_mem>>)
    %dma_start3A_22 = tpu.memref_slice %arg2[%add3A_14] : memref<3200000xf32, #tpu.memory_space<hbm>> -> memref<6400xf32, #tpu.memory_space<hbm>>
    %dma_start3A_23 = tpu.memref_slice %arg2[%add3A_14] : memref<3200000xf32, #tpu.memory_space<hbm>> -> memref<6400xf32, #tpu.memory_space<hbm>>
    tpu.enqueue_dma source(%dma_start3A_23 : memref<6400xf32, #tpu.memory_space<hbm>>) target(%arg8 : memref<6400xf32, #tpu.memory_space<vmem>>) target_semaphore(%arg16 : memref<!tpu.dma_semaphore, #tpu.memory_space<semaphore_mem>>)
    %broadcast_in_dim3A = arith.constant 0.000000e+00 : f32
    %broadcast_in_dim3A_24 = vector.broadcast %broadcast_in_dim3A : f32 to vector<16xf32>
    %dma_wait3A = tpu.memref_slice %arg2[%add3A_6] : memref<3200000xf32, #tpu.memory_space<hbm>> -> memref<6400xf32, #tpu.memory_space<hbm>>
    %dma_wait3A_25 = tpu.memref_slice %arg2[%add3A_6] : memref<3200000xf32, #tpu.memory_space<hbm>> -> memref<6400xf32, #tpu.memory_space<hbm>>
    tpu.wait_dma2 semaphore(%arg12 : memref<!tpu.dma_semaphore, #tpu.memory_space<semaphore_mem>>) src(%dma_wait3A_25 : memref<6400xf32, #tpu.memory_space<hbm>>) dst(%arg4 : memref<6400xf32, #tpu.memory_space<vmem>>)
    %broadcast_in_dim3A_26 = arith.constant 0.000000e+00 : f32
    %broadcast_in_dim3A_27 = vector.broadcast %broadcast_in_dim3A_26 : f32 to vector<16xf32>
    %scan3A = arith.constant 0 : i32
    %scan3A_28 = arith.constant 80 : i32
    %scan3A_29 = arith.addi %scan3A, %scan3A_28 : i32
    %scan3A_30 = arith.constant 1 : i32
    %scan3A_31:5 = scf.for %scan3A_103 = %scan3A to %scan3A_29 step %scan3A_30 iter_args(%scan3A_104 = %broadcast_in_dim3A_27, %scan3A_105 = %broadcast_in_dim3A_27, %scan3A_106 = %broadcast_in_dim3A_27, %scan3A_107 = %broadcast_in_dim3A_27, %scan3A_108 = %broadcast_in_dim3A_27) -> (vector<16xf32>, vector<16xf32>, vector<16xf32>, vector<16xf32>, vector<16xf32>)  : i32 {
      %mul3A_109 = arith.constant 80 : i32
      %mul3A_110 = arith.muli %scan3A_103, %mul3A_109 : i32
      %add3A_111 = arith.constant 0 : i32
      %add3A_112 = arith.addi %mul3A_110, %add3A_111 : i32
      %get3A = arith.index_cast %add3A_112 : i32 to index
      %get3A_113 = tpu.vector_load %arg4[%get3A] {strides = array<i32>} : memref<6400xf32, #tpu.memory_space<vmem>>, vector<16xf32>,
      %get3A_114 = vector.shape_cast %get3A_113 : vector<16xf32> to vector<16xf32>
      %add3A_115 = arith.addf %scan3A_104, %get3A_114 : vector<16xf32>
      %add3A_116 = arith.constant 16 : i32
      %add3A_117 = arith.addi %mul3A_110, %add3A_116 : i32
      %get3A_118 = arith.index_cast %add3A_117 : i32 to index
      %get3A_119 = tpu.vector_load %arg4[%get3A_118] {strides = array<i32>} : memref<6400xf32, #tpu.memory_space<vmem>>, vector<16xf32>,
      %get3A_120 = vector.shape_cast %get3A_119 : vector<16xf32> to vector<16xf32>
      %add3A_121 = arith.addf %scan3A_105, %get3A_120 : vector<16xf32>
      %add3A_122 = arith.constant 32 : i32
      %add3A_123 = arith.addi %mul3A_110, %add3A_122 : i32
      %get3A_124 = arith.index_cast %add3A_123 : i32 to index
      %get3A_125 = tpu.vector_load %arg4[%get3A_124] {strides = array<i32>} : memref<6400xf32, #tpu.memory_space<vmem>>, vector<16xf32>,
      %get3A_126 = vector.shape_cast %get3A_125 : vector<16xf32> to vector<16xf32>
      %add3A_127 = arith.addf %scan3A_106, %get3A_126 : vector<16xf32>
      %add3A_128 = arith.constant 48 : i32
      %add3A_129 = arith.addi %mul3A_110, %add3A_128 : i32
      %get3A_130 = arith.index_cast %add3A_129 : i32 to index
      %get3A_131 = tpu.vector_load %arg4[%get3A_130] {strides = array<i32>} : memref<6400xf32, #tpu.memory_space<vmem>>, vector<16xf32>,
      %get3A_132 = vector.shape_cast %get3A_131 : vector<16xf32> to vector<16xf32>
      %add3A_133 = arith.addf %scan3A_107, %get3A_132 : vector<16xf32>
      %add3A_134 = arith.constant 64 : i32
      %add3A_135 = arith.addi %mul3A_110, %add3A_134 : i32
      %get3A_136 = arith.index_cast %add3A_135 : i32 to index
      %get3A_137 = tpu.vector_load %arg4[%get3A_136] {strides = array<i32>} : memref<6400xf32, #tpu.memory_space<vmem>>, vector<16xf32>,
      %get3A_138 = vector.shape_cast %get3A_137 : vector<16xf32> to vector<16xf32>
      %add3A_139 = arith.addf %scan3A_108, %get3A_138 : vector<16xf32>
      scf.yield %add3A_115, %add3A_121, %add3A_127, %add3A_133, %add3A_139 : vector<16xf32>, vector<16xf32>, vector<16xf32>, vector<16xf32>, vector<16xf32>
    }
    %scan3A_32 = arith.constant 80 : i32
    %add3A_33 = arith.addf %broadcast_in_dim3A_24, %scan3A_31#0 : vector<16xf32>
    %add3A_34 = arith.addf %add3A_33, %scan3A_31#1 : vector<16xf32>
    %add3A_35 = arith.addf %add3A_34, %scan3A_31#2 : vector<16xf32>
    %add3A_36 = arith.addf %add3A_35, %scan3A_31#3 : vector<16xf32>
    %add3A_37 = arith.addf %add3A_36, %scan3A_31#4 : vector<16xf32>
    %dma_wait3A_38 = tpu.memref_slice %arg2[%add3A_8] : memref<3200000xf32, #tpu.memory_space<hbm>> -> memref<6400xf32, #tpu.memory_space<hbm>>
    %dma_wait3A_39 = tpu.memref_slice %arg2[%add3A_8] : memref<3200000xf32, #tpu.memory_space<hbm>> -> memref<6400xf32, #tpu.memory_space<hbm>>
    tpu.wait_dma2 semaphore(%arg13 : memref<!tpu.dma_semaphore, #tpu.memory_space<semaphore_mem>>) src(%dma_wait3A_39 : memref<6400xf32, #tpu.memory_space<hbm>>) dst(%arg5 : memref<6400xf32, #tpu.memory_space<vmem>>)
    %broadcast_in_dim3A_40 = arith.constant 0.000000e+00 : f32
    %broadcast_in_dim3A_41 = vector.broadcast %broadcast_in_dim3A_40 : f32 to vector<16xf32>
    %scan3A_42 = arith.constant 0 : i32
    %scan3A_43 = arith.constant 80 : i32
    %scan3A_44 = arith.addi %scan3A_42, %scan3A_43 : i32
    %scan3A_45 = arith.constant 1 : i32
    %scan3A_46:5 = scf.for %scan3A_103 = %scan3A_42 to %scan3A_44 step %scan3A_45 iter_args(%scan3A_104 = %broadcast_in_dim3A_41, %scan3A_105 = %broadcast_in_dim3A_41, %scan3A_106 = %broadcast_in_dim3A_41, %scan3A_107 = %broadcast_in_dim3A_41, %scan3A_108 = %broadcast_in_dim3A_41) -> (vector<16xf32>, vector<16xf32>, vector<16xf32>, vector<16xf32>, vector<16xf32>)  : i32 {
      %mul3A_109 = arith.constant 80 : i32
      %mul3A_110 = arith.muli %scan3A_103, %mul3A_109 : i32
      %add3A_111 = arith.constant 0 : i32
      %add3A_112 = arith.addi %mul3A_110, %add3A_111 : i32
      %get3A = arith.index_cast %add3A_112 : i32 to index
      %get3A_113 = tpu.vector_load %arg5[%get3A] {strides = array<i32>} : memref<6400xf32, #tpu.memory_space<vmem>>, vector<16xf32>,
      %get3A_114 = vector.shape_cast %get3A_113 : vector<16xf32> to vector<16xf32>
      %add3A_115 = arith.addf %scan3A_104, %get3A_114 : vector<16xf32>
      %add3A_116 = arith.constant 16 : i32
      %add3A_117 = arith.addi %mul3A_110, %add3A_116 : i32
      %get3A_118 = arith.index_cast %add3A_117 : i32 to index
      %get3A_119 = tpu.vector_load %arg5[%get3A_118] {strides = array<i32>} : memref<6400xf32, #tpu.memory_space<vmem>>, vector<16xf32>,
      %get3A_120 = vector.shape_cast %get3A_119 : vector<16xf32> to vector<16xf32>
      %add3A_121 = arith.addf %scan3A_105, %get3A_120 : vector<16xf32>
      %add3A_122 = arith.constant 32 : i32
      %add3A_123 = arith.addi %mul3A_110, %add3A_122 : i32
      %get3A_124 = arith.index_cast %add3A_123 : i32 to index
      %get3A_125 = tpu.vector_load %arg5[%get3A_124] {strides = array<i32>} : memref<6400xf32, #tpu.memory_space<vmem>>, vector<16xf32>,
      %get3A_126 = vector.shape_cast %get3A_125 : vector<16xf32> to vector<16xf32>
      %add3A_127 = arith.addf %scan3A_106, %get3A_126 : vector<16xf32>
      %add3A_128 = arith.constant 48 : i32
      %add3A_129 = arith.addi %mul3A_110, %add3A_128 : i32
      %get3A_130 = arith.index_cast %add3A_129 : i32 to index
      %get3A_131 = tpu.vector_load %arg5[%get3A_130] {strides = array<i32>} : memref<6400xf32, #tpu.memory_space<vmem>>, vector<16xf32>,
      %get3A_132 = vector.shape_cast %get3A_131 : vector<16xf32> to vector<16xf32>
      %add3A_133 = arith.addf %scan3A_107, %get3A_132 : vector<16xf32>
      %add3A_134 = arith.constant 64 : i32
      %add3A_135 = arith.addi %mul3A_110, %add3A_134 : i32
      %get3A_136 = arith.index_cast %add3A_135 : i32 to index
      %get3A_137 = tpu.vector_load %arg5[%get3A_136] {strides = array<i32>} : memref<6400xf32, #tpu.memory_space<vmem>>, vector<16xf32>,
      %get3A_138 = vector.shape_cast %get3A_137 : vector<16xf32> to vector<16xf32>
      %add3A_139 = arith.addf %scan3A_108, %get3A_138 : vector<16xf32>
      scf.yield %add3A_115, %add3A_121, %add3A_127, %add3A_133, %add3A_139 : vector<16xf32>, vector<16xf32>, vector<16xf32>, vector<16xf32>, vector<16xf32>
    }
    %scan3A_47 = arith.constant 80 : i32
    %add3A_48 = arith.addf %add3A_37, %scan3A_46#0 : vector<16xf32>
    %add3A_49 = arith.addf %add3A_48, %scan3A_46#1 : vector<16xf32>
    %add3A_50 = arith.addf %add3A_49, %scan3A_46#2 : vector<16xf32>
    %add3A_51 = arith.addf %add3A_50, %scan3A_46#3 : vector<16xf32>
    %add3A_52 = arith.addf %add3A_51, %scan3A_46#4 : vector<16xf32>
    %dma_wait3A_53 = tpu.memref_slice %arg2[%add3A_10] : memref<3200000xf32, #tpu.memory_space<hbm>> -> memref<6400xf32, #tpu.memory_space<hbm>>
    %dma_wait3A_54 = tpu.memref_slice %arg2[%add3A_10] : memref<3200000xf32, #tpu.memory_space<hbm>> -> memref<6400xf32, #tpu.memory_space<hbm>>
    tpu.wait_dma2 semaphore(%arg14 : memref<!tpu.dma_semaphore, #tpu.memory_space<semaphore_mem>>) src(%dma_wait3A_54 : memref<6400xf32, #tpu.memory_space<hbm>>) dst(%arg6 : memref<6400xf32, #tpu.memory_space<vmem>>)
    %broadcast_in_dim3A_55 = arith.constant 0.000000e+00 : f32
    %broadcast_in_dim3A_56 = vector.broadcast %broadcast_in_dim3A_55 : f32 to vector<16xf32>
    %scan3A_57 = arith.constant 0 : i32
    %scan3A_58 = arith.constant 80 : i32
    %scan3A_59 = arith.addi %scan3A_57, %scan3A_58 : i32
    %scan3A_60 = arith.constant 1 : i32
    %scan3A_61:5 = scf.for %scan3A_103 = %scan3A_57 to %scan3A_59 step %scan3A_60 iter_args(%scan3A_104 = %broadcast_in_dim3A_56, %scan3A_105 = %broadcast_in_dim3A_56, %scan3A_106 = %broadcast_in_dim3A_56, %scan3A_107 = %broadcast_in_dim3A_56, %scan3A_108 = %broadcast_in_dim3A_56) -> (vector<16xf32>, vector<16xf32>, vector<16xf32>, vector<16xf32>, vector<16xf32>)  : i32 {
      %mul3A_109 = arith.constant 80 : i32
      %mul3A_110 = arith.muli %scan3A_103, %mul3A_109 : i32
      %add3A_111 = arith.constant 0 : i32
      %add3A_112 = arith.addi %mul3A_110, %add3A_111 : i32
      %get3A = arith.index_cast %add3A_112 : i32 to index
      %get3A_113 = tpu.vector_load %arg6[%get3A] {strides = array<i32>} : memref<6400xf32, #tpu.memory_space<vmem>>, vector<16xf32>,
      %get3A_114 = vector.shape_cast %get3A_113 : vector<16xf32> to vector<16xf32>
      %add3A_115 = arith.addf %scan3A_104, %get3A_114 : vector<16xf32>
      %add3A_116 = arith.constant 16 : i32
      %add3A_117 = arith.addi %mul3A_110, %add3A_116 : i32
      %get3A_118 = arith.index_cast %add3A_117 : i32 to index
      %get3A_119 = tpu.vector_load %arg6[%get3A_118] {strides = array<i32>} : memref<6400xf32, #tpu.memory_space<vmem>>, vector<16xf32>,
      %get3A_120 = vector.shape_cast %get3A_119 : vector<16xf32> to vector<16xf32>
      %add3A_121 = arith.addf %scan3A_105, %get3A_120 : vector<16xf32>
      %add3A_122 = arith.constant 32 : i32
      %add3A_123 = arith.addi %mul3A_110, %add3A_122 : i32
      %get3A_124 = arith.index_cast %add3A_123 : i32 to index
      %get3A_125 = tpu.vector_load %arg6[%get3A_124] {strides = array<i32>} : memref<6400xf32, #tpu.memory_space<vmem>>, vector<16xf32>,
      %get3A_126 = vector.shape_cast %get3A_125 : vector<16xf32> to vector<16xf32>
      %add3A_127 = arith.addf %scan3A_106, %get3A_126 : vector<16xf32>
      %add3A_128 = arith.constant 48 : i32
      %add3A_129 = arith.addi %mul3A_110, %add3A_128 : i32
      %get3A_130 = arith.index_cast %add3A_129 : i32 to index
      %get3A_131 = tpu.vector_load %arg6[%get3A_130] {strides = array<i32>} : memref<6400xf32, #tpu.memory_space<vmem>>, vector<16xf32>,
      %get3A_132 = vector.shape_cast %get3A_131 : vector<16xf32> to vector<16xf32>
      %add3A_133 = arith.addf %scan3A_107, %get3A_132 : vector<16xf32>
      %add3A_134 = arith.constant 64 : i32
      %add3A_135 = arith.addi %mul3A_110, %add3A_134 : i32
      %get3A_136 = arith.index_cast %add3A_135 : i32 to index
      %get3A_137 = tpu.vector_load %arg6[%get3A_136] {strides = array<i32>} : memref<6400xf32, #tpu.memory_space<vmem>>, vector<16xf32>,
      %get3A_138 = vector.shape_cast %get3A_137 : vector<16xf32> to vector<16xf32>
      %add3A_139 = arith.addf %scan3A_108, %get3A_138 : vector<16xf32>
      scf.yield %add3A_115, %add3A_121, %add3A_127, %add3A_133, %add3A_139 : vector<16xf32>, vector<16xf32>, vector<16xf32>, vector<16xf32>, vector<16xf32>
    }
    %scan3A_62 = arith.constant 80 : i32
    %add3A_63 = arith.addf %add3A_52, %scan3A_61#0 : vector<16xf32>
    %add3A_64 = arith.addf %add3A_63, %scan3A_61#1 : vector<16xf32>
    %add3A_65 = arith.addf %add3A_64, %scan3A_61#2 : vector<16xf32>
    %add3A_66 = arith.addf %add3A_65, %scan3A_61#3 : vector<16xf32>
    %add3A_67 = arith.addf %add3A_66, %scan3A_61#4 : vector<16xf32>
    %dma_wait3A_68 = tpu.memref_slice %arg2[%add3A_12] : memref<3200000xf32, #tpu.memory_space<hbm>> -> memref<6400xf32, #tpu.memory_space<hbm>>
    %dma_wait3A_69 = tpu.memref_slice %arg2[%add3A_12] : memref<3200000xf32, #tpu.memory_space<hbm>> -> memref<6400xf32, #tpu.memory_space<hbm>>
    tpu.wait_dma2 semaphore(%arg15 : memref<!tpu.dma_semaphore, #tpu.memory_space<semaphore_mem>>) src(%dma_wait3A_69 : memref<6400xf32, #tpu.memory_space<hbm>>) dst(%arg7 : memref<6400xf32, #tpu.memory_space<vmem>>)
    %broadcast_in_dim3A_70 = arith.constant 0.000000e+00 : f32
    %broadcast_in_dim3A_71 = vector.broadcast %broadcast_in_dim3A_70 : f32 to vector<16xf32>
    %scan3A_72 = arith.constant 0 : i32
    %scan3A_73 = arith.constant 80 : i32
    %scan3A_74 = arith.addi %scan3A_72, %scan3A_73 : i32
    %scan3A_75 = arith.constant 1 : i32
    %scan3A_76:5 = scf.for %scan3A_103 = %scan3A_72 to %scan3A_74 step %scan3A_75 iter_args(%scan3A_104 = %broadcast_in_dim3A_71, %scan3A_105 = %broadcast_in_dim3A_71, %scan3A_106 = %broadcast_in_dim3A_71, %scan3A_107 = %broadcast_in_dim3A_71, %scan3A_108 = %broadcast_in_dim3A_71) -> (vector<16xf32>, vector<16xf32>, vector<16xf32>, vector<16xf32>, vector<16xf32>)  : i32 {
      %mul3A_109 = arith.constant 80 : i32
      %mul3A_110 = arith.muli %scan3A_103, %mul3A_109 : i32
      %add3A_111 = arith.constant 0 : i32
      %add3A_112 = arith.addi %mul3A_110, %add3A_111 : i32
      %get3A = arith.index_cast %add3A_112 : i32 to index
      %get3A_113 = tpu.vector_load %arg7[%get3A] {strides = array<i32>} : memref<6400xf32, #tpu.memory_space<vmem>>, vector<16xf32>,
      %get3A_114 = vector.shape_cast %get3A_113 : vector<16xf32> to vector<16xf32>
      %add3A_115 = arith.addf %scan3A_104, %get3A_114 : vector<16xf32>
      %add3A_116 = arith.constant 16 : i32
      %add3A_117 = arith.addi %mul3A_110, %add3A_116 : i32
      %get3A_118 = arith.index_cast %add3A_117 : i32 to index
      %get3A_119 = tpu.vector_load %arg7[%get3A_118] {strides = array<i32>} : memref<6400xf32, #tpu.memory_space<vmem>>, vector<16xf32>,
      %get3A_120 = vector.shape_cast %get3A_119 : vector<16xf32> to vector<16xf32>
      %add3A_121 = arith.addf %scan3A_105, %get3A_120 : vector<16xf32>
      %add3A_122 = arith.constant 32 : i32
      %add3A_123 = arith.addi %mul3A_110, %add3A_122 : i32
      %get3A_124 = arith.index_cast %add3A_123 : i32 to index
      %get3A_125 = tpu.vector_load %arg7[%get3A_124] {strides = array<i32>} : memref<6400xf32, #tpu.memory_space<vmem>>, vector<16xf32>,
      %get3A_126 = vector.shape_cast %get3A_125 : vector<16xf32> to vector<16xf32>
      %add3A_127 = arith.addf %scan3A_106, %get3A_126 : vector<16xf32>
      %add3A_128 = arith.constant 48 : i32
      %add3A_129 = arith.addi %mul3A_110, %add3A_128 : i32
      %get3A_130 = arith.index_cast %add3A_129 : i32 to index
      %get3A_131 = tpu.vector_load %arg7[%get3A_130] {strides = array<i32>} : memref<6400xf32, #tpu.memory_space<vmem>>, vector<16xf32>,
      %get3A_132 = vector.shape_cast %get3A_131 : vector<16xf32> to vector<16xf32>
      %add3A_133 = arith.addf %scan3A_107, %get3A_132 : vector<16xf32>
      %add3A_134 = arith.constant 64 : i32
      %add3A_135 = arith.addi %mul3A_110, %add3A_134 : i32
      %get3A_136 = arith.index_cast %add3A_135 : i32 to index
      %get3A_137 = tpu.vector_load %arg7[%get3A_136] {strides = array<i32>} : memref<6400xf32, #tpu.memory_space<vmem>>, vector<16xf32>,
      %get3A_138 = vector.shape_cast %get3A_137 : vector<16xf32> to vector<16xf32>
      %add3A_139 = arith.addf %scan3A_108, %get3A_138 : vector<16xf32>
      scf.yield %add3A_115, %add3A_121, %add3A_127, %add3A_133, %add3A_139 : vector<16xf32>, vector<16xf32>, vector<16xf32>, vector<16xf32>, vector<16xf32>
    }
    %scan3A_77 = arith.constant 80 : i32
    %add3A_78 = arith.addf %add3A_67, %scan3A_76#0 : vector<16xf32>
    %add3A_79 = arith.addf %add3A_78, %scan3A_76#1 : vector<16xf32>
    %add3A_80 = arith.addf %add3A_79, %scan3A_76#2 : vector<16xf32>
    %add3A_81 = arith.addf %add3A_80, %scan3A_76#3 : vector<16xf32>
    %add3A_82 = arith.addf %add3A_81, %scan3A_76#4 : vector<16xf32>
    %dma_wait3A_83 = tpu.memref_slice %arg2[%add3A_14] : memref<3200000xf32, #tpu.memory_space<hbm>> -> memref<6400xf32, #tpu.memory_space<hbm>>
    %dma_wait3A_84 = tpu.memref_slice %arg2[%add3A_14] : memref<3200000xf32, #tpu.memory_space<hbm>> -> memref<6400xf32, #tpu.memory_space<hbm>>
    tpu.wait_dma2 semaphore(%arg16 : memref<!tpu.dma_semaphore, #tpu.memory_space<semaphore_mem>>) src(%dma_wait3A_84 : memref<6400xf32, #tpu.memory_space<hbm>>) dst(%arg8 : memref<6400xf32, #tpu.memory_space<vmem>>)
    %broadcast_in_dim3A_85 = arith.constant 0.000000e+00 : f32
    %broadcast_in_dim3A_86 = vector.broadcast %broadcast_in_dim3A_85 : f32 to vector<16xf32>
    %scan3A_87 = arith.constant 0 : i32
    %scan3A_88 = arith.constant 80 : i32
    %scan3A_89 = arith.addi %scan3A_87, %scan3A_88 : i32
    %scan3A_90 = arith.constant 1 : i32
    %scan3A_91:5 = scf.for %scan3A_103 = %scan3A_87 to %scan3A_89 step %scan3A_90 iter_args(%scan3A_104 = %broadcast_in_dim3A_86, %scan3A_105 = %broadcast_in_dim3A_86, %scan3A_106 = %broadcast_in_dim3A_86, %scan3A_107 = %broadcast_in_dim3A_86, %scan3A_108 = %broadcast_in_dim3A_86) -> (vector<16xf32>, vector<16xf32>, vector<16xf32>, vector<16xf32>, vector<16xf32>)  : i32 {
      %mul3A_109 = arith.constant 80 : i32
      %mul3A_110 = arith.muli %scan3A_103, %mul3A_109 : i32
      %add3A_111 = arith.constant 0 : i32
      %add3A_112 = arith.addi %mul3A_110, %add3A_111 : i32
      %get3A = arith.index_cast %add3A_112 : i32 to index
      %get3A_113 = tpu.vector_load %arg8[%get3A] {strides = array<i32>} : memref<6400xf32, #tpu.memory_space<vmem>>, vector<16xf32>,
      %get3A_114 = vector.shape_cast %get3A_113 : vector<16xf32> to vector<16xf32>
      %add3A_115 = arith.addf %scan3A_104, %get3A_114 : vector<16xf32>
      %add3A_116 = arith.constant 16 : i32
      %add3A_117 = arith.addi %mul3A_110, %add3A_116 : i32
      %get3A_118 = arith.index_cast %add3A_117 : i32 to index
      %get3A_119 = tpu.vector_load %arg8[%get3A_118] {strides = array<i32>} : memref<6400xf32, #tpu.memory_space<vmem>>, vector<16xf32>,
      %get3A_120 = vector.shape_cast %get3A_119 : vector<16xf32> to vector<16xf32>
      %add3A_121 = arith.addf %scan3A_105, %get3A_120 : vector<16xf32>
      %add3A_122 = arith.constant 32 : i32
      %add3A_123 = arith.addi %mul3A_110, %add3A_122 : i32
      %get3A_124 = arith.index_cast %add3A_123 : i32 to index
      %get3A_125 = tpu.vector_load %arg8[%get3A_124] {strides = array<i32>} : memref<6400xf32, #tpu.memory_space<vmem>>, vector<16xf32>,
      %get3A_126 = vector.shape_cast %get3A_125 : vector<16xf32> to vector<16xf32>
      %add3A_127 = arith.addf %scan3A_106, %get3A_126 : vector<16xf32>
      %add3A_128 = arith.constant 48 : i32
      %add3A_129 = arith.addi %mul3A_110, %add3A_128 : i32
      %get3A_130 = arith.index_cast %add3A_129 : i32 to index
      %get3A_131 = tpu.vector_load %arg8[%get3A_130] {strides = array<i32>} : memref<6400xf32, #tpu.memory_space<vmem>>, vector<16xf32>,
      %get3A_132 = vector.shape_cast %get3A_131 : vector<16xf32> to vector<16xf32>
      %add3A_133 = arith.addf %scan3A_107, %get3A_132 : vector<16xf32>
      %add3A_134 = arith.constant 64 : i32
      %add3A_135 = arith.addi %mul3A_110, %add3A_134 : i32
      %get3A_136 = arith.index_cast %add3A_135 : i32 to index
      %get3A_137 = tpu.vector_load %arg8[%get3A_136] {strides = array<i32>} : memref<6400xf32, #tpu.memory_space<vmem>>, vector<16xf32>,
      %get3A_138 = vector.shape_cast %get3A_137 : vector<16xf32> to vector<16xf32>
      %add3A_139 = arith.addf %scan3A_108, %get3A_138 : vector<16xf32>
      scf.yield %add3A_115, %add3A_121, %add3A_127, %add3A_133, %add3A_139 : vector<16xf32>, vector<16xf32>, vector<16xf32>, vector<16xf32>, vector<16xf32>
    }
    %scan3A_92 = arith.constant 80 : i32
    %add3A_93 = arith.addf %add3A_82, %scan3A_91#0 : vector<16xf32>
    %add3A_94 = arith.addf %add3A_93, %scan3A_91#1 : vector<16xf32>
    %add3A_95 = arith.addf %add3A_94, %scan3A_91#2 : vector<16xf32>
    %add3A_96 = arith.addf %add3A_95, %scan3A_91#3 : vector<16xf32>
    %add3A_97 = arith.addf %add3A_96, %scan3A_91#4 : vector<16xf32>
    %swap3A = arith.constant 0 : index
    %swap3A_98 = tpu.vector_load %arg9[%swap3A] {strides = array<i32>} : memref<16xf32, #tpu.memory_space<vmem>>, vector<16xf32>,
    %swap3A_99 = vector.shape_cast %swap3A_98 : vector<16xf32> to vector<16xf32>
    %swap3A_100 = vector.shape_cast %add3A_97 : vector<16xf32> to vector<16xf32>
    tpu.vector_store %arg9[%swap3A], %swap3A_100 {strides = array<i32>} : memref<16xf32, #tpu.memory_space<vmem>>, vector<16xf32>,
    "tpu.region"() ({
      %run_scoped3A = tpu.sem_alloc : memref<!tpu.dma_semaphore, #tpu.memory_space<semaphore_mem>>
      %dma_start3A_103 = arith.constant 0 : i32
      %dma_start3A_104 = tpu.memref_slice %arg11[%arg1, %dma_start3A_103] : memref<16x16xf32, #tpu.memory_space<vmem_shared>> -> memref<1x16xf32, #tpu.memory_space<vmem_shared>>
      %dma_start3A_105 = tpu.memref_squeeze %dma_start3A_104 : memref<1x16xf32, #tpu.memory_space<vmem_shared>> -> memref<16xf32, #tpu.memory_space<vmem_shared>>
      %dma_start3A_106 = arith.constant 0 : i32
      %dma_start3A_107 = tpu.memref_slice %arg11[%arg1, %dma_start3A_106] : memref<16x16xf32, #tpu.memory_space<vmem_shared>> -> memref<1x16xf32, #tpu.memory_space<vmem_shared>>
      %dma_start3A_108 = tpu.memref_squeeze %dma_start3A_107 : memref<1x16xf32, #tpu.memory_space<vmem_shared>> -> memref<16xf32, #tpu.memory_space<vmem_shared>>
      tpu.enqueue_dma source(%arg9 : memref<16xf32, #tpu.memory_space<vmem>>) target(%dma_start3A_108 : memref<16xf32, #tpu.memory_space<vmem_shared>>) target_semaphore(%run_scoped3A : memref<!tpu.dma_semaphore, #tpu.memory_space<semaphore_mem>>)
      %dma_wait3A_109 = arith.constant 0 : i32
      %dma_wait3A_110 = tpu.memref_slice %arg11[%arg1, %dma_wait3A_109] : memref<16x16xf32, #tpu.memory_space<vmem_shared>> -> memref<1x16xf32, #tpu.memory_space<vmem_shared>>
      %dma_wait3A_111 = tpu.memref_squeeze %dma_wait3A_110 : memref<1x16xf32, #tpu.memory_space<vmem_shared>> -> memref<16xf32, #tpu.memory_space<vmem_shared>>
      %dma_wait3A_112 = arith.constant 0 : i32
      %dma_wait3A_113 = tpu.memref_slice %arg11[%arg1, %dma_wait3A_112] : memref<16x16xf32, #tpu.memory_space<vmem_shared>> -> memref<1x16xf32, #tpu.memory_space<vmem_shared>>
      %dma_wait3A_114 = tpu.memref_squeeze %dma_wait3A_113 : memref<1x16xf32, #tpu.memory_space<vmem_shared>> -> memref<16xf32, #tpu.memory_space<vmem_shared>>
      tpu.wait_dma2 semaphore(%run_scoped3A : memref<!tpu.dma_semaphore, #tpu.memory_space<semaphore_mem>>) src(%arg9 : memref<16xf32, #tpu.memory_space<vmem>>) dst(%dma_wait3A_114 : memref<16xf32, #tpu.memory_space<vmem_shared>>)
      tpu.yield
    }) : () -> ()
    %barrier3A = arith.constant 0 : index
    tpu.barrier barrier_id(%barrier3A)
    %eq3A = arith.constant 0 : i32
    %eq3A_101 = arith.cmpi eq, %arg1, %eq3A : i32
    %convert_element_type3A = arith.extui %eq3A_101 : i1 to i32
    %cond3A = arith.constant 0 : i32
    %cond3A_102 = arith.cmpi ne, %convert_element_type3A, %cond3A : i32
    scf.if %cond3A_102 {
      "tpu.region"() ({
        %run_scoped3A = tpu.sem_alloc : memref<!tpu.dma_semaphore, #tpu.memory_space<semaphore_mem>>
        tpu.enqueue_dma source(%arg11 : memref<16x16xf32, #tpu.memory_space<vmem_shared>>) target(%arg10 : memref<16x16xf32, #tpu.memory_space<vmem>>) target_semaphore(%run_scoped3A : memref<!tpu.dma_semaphore, #tpu.memory_space<semaphore_mem>>)
        tpu.wait_dma2 semaphore(%run_scoped3A : memref<!tpu.dma_semaphore, #tpu.memory_space<semaphore_mem>>) src(%arg11 : memref<16x16xf32, #tpu.memory_space<vmem_shared>>) dst(%arg10 : memref<16x16xf32, #tpu.memory_space<vmem>>)
        tpu.yield
      }) : () -> ()
      %get3A = arith.constant 0 : i32
      %get3A_103 = arith.index_cast %get3A : i32 to index
      %get3A_104 = arith.constant 0 : index
      %get3A_105 = tpu.vector_load %arg10[%get3A_103, %get3A_104] {strides = array<i32>} : memref<16x16xf32, #tpu.memory_space<vmem>>, vector<1x16xf32>,
      %get3A_106 = vector.shape_cast %get3A_105 : vector<1x16xf32> to vector<16xf32>
      %get3A_107 = arith.constant 1 : i32
      %get3A_108 = arith.index_cast %get3A_107 : i32 to index
      %get3A_109 = arith.constant 0 : index
      %get3A_110 = tpu.vector_load %arg10[%get3A_108, %get3A_109] {strides = array<i32>} : memref<16x16xf32, #tpu.memory_space<vmem>>, vector<1x16xf32>,
      %get3A_111 = vector.shape_cast %get3A_110 : vector<1x16xf32> to vector<16xf32>
      %add3A_112 = arith.addf %get3A_106, %get3A_111 : vector<16xf32>
      %get3A_113 = arith.constant 2 : i32
      %get3A_114 = arith.index_cast %get3A_113 : i32 to index
      %get3A_115 = arith.constant 0 : index
      %get3A_116 = tpu.vector_load %arg10[%get3A_114, %get3A_115] {strides = array<i32>} : memref<16x16xf32, #tpu.memory_space<vmem>>, vector<1x16xf32>,
      %get3A_117 = vector.shape_cast %get3A_116 : vector<1x16xf32> to vector<16xf32>
      %add3A_118 = arith.addf %add3A_112, %get3A_117 : vector<16xf32>
      %get3A_119 = arith.constant 3 : i32
      %get3A_120 = arith.index_cast %get3A_119 : i32 to index
      %get3A_121 = arith.constant 0 : index
      %get3A_122 = tpu.vector_load %arg10[%get3A_120, %get3A_121] {strides = array<i32>} : memref<16x16xf32, #tpu.memory_space<vmem>>, vector<1x16xf32>,
      %get3A_123 = vector.shape_cast %get3A_122 : vector<1x16xf32> to vector<16xf32>
      %add3A_124 = arith.addf %add3A_118, %get3A_123 : vector<16xf32>
      %get3A_125 = arith.constant 4 : i32
      %get3A_126 = arith.index_cast %get3A_125 : i32 to index
      %get3A_127 = arith.constant 0 : index
      %get3A_128 = tpu.vector_load %arg10[%get3A_126, %get3A_127] {strides = array<i32>} : memref<16x16xf32, #tpu.memory_space<vmem>>, vector<1x16xf32>,
      %get3A_129 = vector.shape_cast %get3A_128 : vector<1x16xf32> to vector<16xf32>
      %add3A_130 = arith.addf %add3A_124, %get3A_129 : vector<16xf32>
      %get3A_131 = arith.constant 5 : i32
      %get3A_132 = arith.index_cast %get3A_131 : i32 to index
      %get3A_133 = arith.constant 0 : index
      %get3A_134 = tpu.vector_load %arg10[%get3A_132, %get3A_133] {strides = array<i32>} : memref<16x16xf32, #tpu.memory_space<vmem>>, vector<1x16xf32>,
      %get3A_135 = vector.shape_cast %get3A_134 : vector<1x16xf32> to vector<16xf32>
      %add3A_136 = arith.addf %add3A_130, %get3A_135 : vector<16xf32>
      %get3A_137 = arith.constant 6 : i32
      %get3A_138 = arith.index_cast %get3A_137 : i32 to index
      %get3A_139 = arith.constant 0 : index
      %get3A_140 = tpu.vector_load %arg10[%get3A_138, %get3A_139] {strides = array<i32>} : memref<16x16xf32, #tpu.memory_space<vmem>>, vector<1x16xf32>,
      %get3A_141 = vector.shape_cast %get3A_140 : vector<1x16xf32> to vector<16xf32>
      %add3A_142 = arith.addf %add3A_136, %get3A_141 : vector<16xf32>
      %get3A_143 = arith.constant 7 : i32
      %get3A_144 = arith.index_cast %get3A_143 : i32 to index
      %get3A_145 = arith.constant 0 : index
      %get3A_146 = tpu.vector_load %arg10[%get3A_144, %get3A_145] {strides = array<i32>} : memref<16x16xf32, #tpu.memory_space<vmem>>, vector<1x16xf32>,
      %get3A_147 = vector.shape_cast %get3A_146 : vector<1x16xf32> to vector<16xf32>
      %add3A_148 = arith.addf %add3A_142, %get3A_147 : vector<16xf32>
      %get3A_149 = arith.constant 8 : i32
      %get3A_150 = arith.index_cast %get3A_149 : i32 to index
      %get3A_151 = arith.constant 0 : index
      %get3A_152 = tpu.vector_load %arg10[%get3A_150, %get3A_151] {strides = array<i32>} : memref<16x16xf32, #tpu.memory_space<vmem>>, vector<1x16xf32>,
      %get3A_153 = vector.shape_cast %get3A_152 : vector<1x16xf32> to vector<16xf32>
      %add3A_154 = arith.addf %add3A_148, %get3A_153 : vector<16xf32>
      %get3A_155 = arith.constant 9 : i32
      %get3A_156 = arith.index_cast %get3A_155 : i32 to index
      %get3A_157 = arith.constant 0 : index
      %get3A_158 = tpu.vector_load %arg10[%get3A_156, %get3A_157] {strides = array<i32>} : memref<16x16xf32, #tpu.memory_space<vmem>>, vector<1x16xf32>,
      %get3A_159 = vector.shape_cast %get3A_158 : vector<1x16xf32> to vector<16xf32>
      %add3A_160 = arith.addf %add3A_154, %get3A_159 : vector<16xf32>
      %get3A_161 = arith.constant 10 : i32
      %get3A_162 = arith.index_cast %get3A_161 : i32 to index
      %get3A_163 = arith.constant 0 : index
      %get3A_164 = tpu.vector_load %arg10[%get3A_162, %get3A_163] {strides = array<i32>} : memref<16x16xf32, #tpu.memory_space<vmem>>, vector<1x16xf32>,
      %get3A_165 = vector.shape_cast %get3A_164 : vector<1x16xf32> to vector<16xf32>
      %add3A_166 = arith.addf %add3A_160, %get3A_165 : vector<16xf32>
      %get3A_167 = arith.constant 11 : i32
      %get3A_168 = arith.index_cast %get3A_167 : i32 to index
      %get3A_169 = arith.constant 0 : index
      %get3A_170 = tpu.vector_load %arg10[%get3A_168, %get3A_169] {strides = array<i32>} : memref<16x16xf32, #tpu.memory_space<vmem>>, vector<1x16xf32>,
      %get3A_171 = vector.shape_cast %get3A_170 : vector<1x16xf32> to vector<16xf32>
      %add3A_172 = arith.addf %add3A_166, %get3A_171 : vector<16xf32>
      %get3A_173 = arith.constant 12 : i32
      %get3A_174 = arith.index_cast %get3A_173 : i32 to index
      %get3A_175 = arith.constant 0 : index
      %get3A_176 = tpu.vector_load %arg10[%get3A_174, %get3A_175] {strides = array<i32>} : memref<16x16xf32, #tpu.memory_space<vmem>>, vector<1x16xf32>,
      %get3A_177 = vector.shape_cast %get3A_176 : vector<1x16xf32> to vector<16xf32>
      %add3A_178 = arith.addf %add3A_172, %get3A_177 : vector<16xf32>
      %get3A_179 = arith.constant 13 : i32
      %get3A_180 = arith.index_cast %get3A_179 : i32 to index
      %get3A_181 = arith.constant 0 : index
      %get3A_182 = tpu.vector_load %arg10[%get3A_180, %get3A_181] {strides = array<i32>} : memref<16x16xf32, #tpu.memory_space<vmem>>, vector<1x16xf32>,
      %get3A_183 = vector.shape_cast %get3A_182 : vector<1x16xf32> to vector<16xf32>
      %add3A_184 = arith.addf %add3A_178, %get3A_183 : vector<16xf32>
      %get3A_185 = arith.constant 14 : i32
      %get3A_186 = arith.index_cast %get3A_185 : i32 to index
      %get3A_187 = arith.constant 0 : index
      %get3A_188 = tpu.vector_load %arg10[%get3A_186, %get3A_187] {strides = array<i32>} : memref<16x16xf32, #tpu.memory_space<vmem>>, vector<1x16xf32>,
      %get3A_189 = vector.shape_cast %get3A_188 : vector<1x16xf32> to vector<16xf32>
      %add3A_190 = arith.addf %add3A_184, %get3A_189 : vector<16xf32>
      %get3A_191 = arith.constant 15 : i32
      %get3A_192 = arith.index_cast %get3A_191 : i32 to index
      %get3A_193 = arith.constant 0 : index
      %get3A_194 = tpu.vector_load %arg10[%get3A_192, %get3A_193] {strides = array<i32>} : memref<16x16xf32, #tpu.memory_space<vmem>>, vector<1x16xf32>,
      %get3A_195 = vector.shape_cast %get3A_194 : vector<1x16xf32> to vector<16xf32>
      %add3A_196 = arith.addf %add3A_190, %get3A_195 : vector<16xf32>
      %slice3A = vector.extract_strided_slice %add3A_196 {offsets = [0], sizes = [1], strides = [1]} : vector<16xf32> to vector<1xf32>
      %squeeze3A = vector.extract %slice3A[0] : f32 from vector<1xf32>
      %slice3A_197 = vector.extract_strided_slice %add3A_196 {offsets = [1], sizes = [1], strides = [1]} : vector<16xf32> to vector<1xf32>
      %squeeze3A_198 = vector.extract %slice3A_197[0] : f32 from vector<1xf32>
      %add3A_199 = arith.addf %squeeze3A, %squeeze3A_198 : f32
      %slice3A_200 = vector.extract_strided_slice %add3A_196 {offsets = [2], sizes = [1], strides = [1]} : vector<16xf32> to vector<1xf32>
      %squeeze3A_201 = vector.extract %slice3A_200[0] : f32 from vector<1xf32>
      %add3A_202 = arith.addf %add3A_199, %squeeze3A_201 : f32
      %slice3A_203 = vector.extract_strided_slice %add3A_196 {offsets = [3], sizes = [1], strides = [1]} : vector<16xf32> to vector<1xf32>
      %squeeze3A_204 = vector.extract %slice3A_203[0] : f32 from vector<1xf32>
      %add3A_205 = arith.addf %add3A_202, %squeeze3A_204 : f32
      %slice3A_206 = vector.extract_strided_slice %add3A_196 {offsets = [4], sizes = [1], strides = [1]} : vector<16xf32> to vector<1xf32>
      %squeeze3A_207 = vector.extract %slice3A_206[0] : f32 from vector<1xf32>
      %add3A_208 = arith.addf %add3A_205, %squeeze3A_207 : f32
      %slice3A_209 = vector.extract_strided_slice %add3A_196 {offsets = [5], sizes = [1], strides = [1]} : vector<16xf32> to vector<1xf32>
      %squeeze3A_210 = vector.extract %slice3A_209[0] : f32 from vector<1xf32>
      %add3A_211 = arith.addf %add3A_208, %squeeze3A_210 : f32
      %slice3A_212 = vector.extract_strided_slice %add3A_196 {offsets = [6], sizes = [1], strides = [1]} : vector<16xf32> to vector<1xf32>
      %squeeze3A_213 = vector.extract %slice3A_212[0] : f32 from vector<1xf32>
      %add3A_214 = arith.addf %add3A_211, %squeeze3A_213 : f32
      %slice3A_215 = vector.extract_strided_slice %add3A_196 {offsets = [7], sizes = [1], strides = [1]} : vector<16xf32> to vector<1xf32>
      %squeeze3A_216 = vector.extract %slice3A_215[0] : f32 from vector<1xf32>
      %add3A_217 = arith.addf %add3A_214, %squeeze3A_216 : f32
      %slice3A_218 = vector.extract_strided_slice %add3A_196 {offsets = [8], sizes = [1], strides = [1]} : vector<16xf32> to vector<1xf32>
      %squeeze3A_219 = vector.extract %slice3A_218[0] : f32 from vector<1xf32>
      %add3A_220 = arith.addf %add3A_217, %squeeze3A_219 : f32
      %slice3A_221 = vector.extract_strided_slice %add3A_196 {offsets = [9], sizes = [1], strides = [1]} : vector<16xf32> to vector<1xf32>
      %squeeze3A_222 = vector.extract %slice3A_221[0] : f32 from vector<1xf32>
      %add3A_223 = arith.addf %add3A_220, %squeeze3A_222 : f32
      %slice3A_224 = vector.extract_strided_slice %add3A_196 {offsets = [10], sizes = [1], strides = [1]} : vector<16xf32> to vector<1xf32>
      %squeeze3A_225 = vector.extract %slice3A_224[0] : f32 from vector<1xf32>
      %add3A_226 = arith.addf %add3A_223, %squeeze3A_225 : f32
      %slice3A_227 = vector.extract_strided_slice %add3A_196 {offsets = [11], sizes = [1], strides = [1]} : vector<16xf32> to vector<1xf32>
      %squeeze3A_228 = vector.extract %slice3A_227[0] : f32 from vector<1xf32>
      %add3A_229 = arith.addf %add3A_226, %squeeze3A_228 : f32
      %slice3A_230 = vector.extract_strided_slice %add3A_196 {offsets = [12], sizes = [1], strides = [1]} : vector<16xf32> to vector<1xf32>
      %squeeze3A_231 = vector.extract %slice3A_230[0] : f32 from vector<1xf32>
      %add3A_232 = arith.addf %add3A_229, %squeeze3A_231 : f32
      %slice3A_233 = vector.extract_strided_slice %add3A_196 {offsets = [13], sizes = [1], strides = [1]} : vector<16xf32> to vector<1xf32>
      %squeeze3A_234 = vector.extract %slice3A_233[0] : f32 from vector<1xf32>
      %add3A_235 = arith.addf %add3A_232, %squeeze3A_234 : f32
      %slice3A_236 = vector.extract_strided_slice %add3A_196 {offsets = [14], sizes = [1], strides = [1]} : vector<16xf32> to vector<1xf32>
      %squeeze3A_237 = vector.extract %slice3A_236[0] : f32 from vector<1xf32>
      %add3A_238 = arith.addf %add3A_235, %squeeze3A_237 : f32
      %slice3A_239 = vector.extract_strided_slice %add3A_196 {offsets = [15], sizes = [1], strides = [1]} : vector<16xf32> to vector<1xf32>
      %squeeze3A_240 = vector.extract %slice3A_239[0] : f32 from vector<1xf32>
      %add3A_241 = arith.addf %add3A_238, %squeeze3A_240 : f32
      %broadcast_in_dim3A_242 = vector.broadcast %add3A_241 : f32 to vector<16xf32>
      %swap3A_243 = arith.constant 0 : index
      %swap3A_244 = tpu.vector_load %arg9[%swap3A_243] {strides = array<i32>} : memref<16xf32, #tpu.memory_space<vmem>>, vector<16xf32>,
      %swap3A_245 = vector.shape_cast %swap3A_244 : vector<16xf32> to vector<16xf32>
      %swap3A_246 = vector.shape_cast %broadcast_in_dim3A_242 : vector<16xf32> to vector<16xf32>
      tpu.vector_store %arg9[%swap3A_243], %swap3A_246 {strides = array<i32>} : memref<16xf32, #tpu.memory_space<vmem>>, vector<16xf32>,
      %mul3A_247 = arith.constant 8 : i32
      %mul3A_248 = arith.muli %arg0, %mul3A_247 : i32
      "tpu.region"() ({
        %run_scoped3A = tpu.sem_alloc : memref<!tpu.dma_semaphore, #tpu.memory_space<semaphore_mem>>
        %dma_start3A_249 = arith.constant 0 : i32
        %dma_start3A_250 = tpu.memref_slice %arg9[%dma_start3A_249] : memref<16xf32, #tpu.memory_space<vmem>> -> memref<8xf32, #tpu.memory_space<vmem>>
        %dma_start3A_251 = tpu.memref_slice %arg3[%mul3A_248] : memref<16xf32, #tpu.memory_space<hbm>> -> memref<8xf32, #tpu.memory_space<hbm>>
        %dma_start3A_252 = tpu.memref_slice %arg3[%mul3A_248] : memref<16xf32, #tpu.memory_space<hbm>> -> memref<8xf32, #tpu.memory_space<hbm>>
        %dma_start3A_253 = arith.constant 0 : i32
        %dma_start3A_254 = tpu.memref_slice %arg9[%dma_start3A_253] : memref<16xf32, #tpu.memory_space<vmem>> -> memref<8xf32, #tpu.memory_space<vmem>>
        tpu.enqueue_dma source(%dma_start3A_254 : memref<8xf32, #tpu.memory_space<vmem>>) target(%dma_start3A_252 : memref<8xf32, #tpu.memory_space<hbm>>) target_semaphore(%run_scoped3A : memref<!tpu.dma_semaphore, #tpu.memory_space<semaphore_mem>>)
        %dma_wait3A_255 = arith.constant 0 : i32
        %dma_wait3A_256 = tpu.memref_slice %arg9[%dma_wait3A_255] : memref<16xf32, #tpu.memory_space<vmem>> -> memref<8xf32, #tpu.memory_space<vmem>>
        %dma_wait3A_257 = tpu.memref_slice %arg3[%mul3A_248] : memref<16xf32, #tpu.memory_space<hbm>> -> memref<8xf32, #tpu.memory_space<hbm>>
        %dma_wait3A_258 = tpu.memref_slice %arg3[%mul3A_248] : memref<16xf32, #tpu.memory_space<hbm>> -> memref<8xf32, #tpu.memory_space<hbm>>
        %dma_wait3A_259 = arith.constant 0 : i32
        %dma_wait3A_260 = tpu.memref_slice %arg9[%dma_wait3A_259] : memref<16xf32, #tpu.memory_space<vmem>> -> memref<8xf32, #tpu.memory_space<vmem>>
        tpu.wait_dma2 semaphore(%run_scoped3A : memref<!tpu.dma_semaphore, #tpu.memory_space<semaphore_mem>>) src(%dma_wait3A_260 : memref<8xf32, #tpu.memory_space<vmem>>) dst(%dma_wait3A_258 : memref<8xf32, #tpu.memory_space<hbm>>)
        tpu.yield
      }) : () -> ()
    } else {
    }
    return
  }
}

module attributes {stable_mosaic.version = 14 : i64} {
  func.func @_tc_reduce_body(%arg0: i32, %arg1: memref<3400x128xf32, #tpu.memory_space<vmem>>, %arg2: memref<1x1xf32, #tpu.memory_space<vmem>>, %arg3: memref<8x128xf32, #tpu.memory_space<vmem>>) attributes {dimension_semantics = [#tpu.dimension_semantics<arbitrary>], iteration_bounds = array<i64: 5>, scalar_prefetch = 0 : i64, scratch_operands = 1 : i64, tpu.core_type = #tpu.core_type<tc>, window_params = [{transform_indices = @transform_0, window_bounds = array<i64: 3400, 128>}, {pipeline_mode = #tpu.pipeline_mode<synchronous>, transform_indices = @transform_1, window_bounds = array<i64: 1, 1>}]} {
    %eq3A = arith.constant 0 : i32
    %eq3A_0 = arith.cmpi eq, %arg0, %eq3A : i32
    %convert_element_type3A = arith.extui %eq3A_0 : i1 to i32
    %cond3A = arith.constant 0 : i32
    %cond3A_1 = arith.cmpi ne, %convert_element_type3A, %cond3A : i32
    scf.if %cond3A_1 {
      %broadcast_in_dim3A_16 = arith.constant 0.000000e+00 : f32
      %broadcast_in_dim3A_17 = vector.broadcast %broadcast_in_dim3A_16 : f32 to vector<8x128xf32>
      %swap3A_18 = arith.constant 0 : index
      %swap3A_19 = arith.constant 0 : index
      %swap3A_20 = vector.load %arg3[%swap3A_18, %swap3A_19] : memref<8x128xf32, #tpu.memory_space<vmem>>, vector<8x128xf32>
      tpu.vector_store %arg3[%swap3A_18, %swap3A_19], %broadcast_in_dim3A_17 {strides = array<i32>} : memref<8x128xf32, #tpu.memory_space<vmem>>, vector<8x128xf32>,
    } else {
    }
    %broadcast_in_dim3A = arith.constant 1.000000e+00 : f32
    %broadcast_in_dim3A_2 = vector.broadcast %broadcast_in_dim3A : f32 to vector<8x3400xf32>
    %get3A = arith.constant 0 : index
    %get3A_3 = arith.constant 0 : index
    %get3A_4 = vector.load %arg3[%get3A, %get3A_3] : memref<8x128xf32, #tpu.memory_space<vmem>>, vector<8x128xf32>
    %get3A_5 = arith.constant 0 : index
    %get3A_6 = arith.constant 0 : index
    %get3A_7 = vector.load %arg1[%get3A_5, %get3A_6] : memref<3400x128xf32, #tpu.memory_space<vmem>>, vector<3400x128xf32>
    %dot_general3A = arith.constant dense<0.000000e+00> : vector<8x128xf32>
    %dot_general3A_8 = tpu.matmul %broadcast_in_dim3A_2, %get3A_7, %dot_general3A {dimension_numbers = #tpu.dot_dimension_numbers<[1], [0], [0], [1], [0, 0, 1, 1], [], []>, precision = #tpu.contract_precision<fp32>, transpose_lhs_hint = false} : vector<8x3400xf32>, vector<3400x128xf32>, vector<8x128xf32> -> vector<8x128xf32>
    %add3A = arith.addf %get3A_4, %dot_general3A_8 : vector<8x128xf32>
    %swap3A = arith.constant 0 : index
    %swap3A_9 = arith.constant 0 : index
    %swap3A_10 = vector.load %arg3[%swap3A, %swap3A_9] : memref<8x128xf32, #tpu.memory_space<vmem>>, vector<8x128xf32>
    tpu.vector_store %arg3[%swap3A, %swap3A_9], %add3A {strides = array<i32>} : memref<8x128xf32, #tpu.memory_space<vmem>>, vector<8x128xf32>,
    %eq3A_11 = arith.constant 4 : i32
    %eq3A_12 = arith.cmpi eq, %arg0, %eq3A_11 : i32
    %convert_element_type3A_13 = arith.extui %eq3A_12 : i1 to i32
    %cond3A_14 = arith.constant 0 : i32
    %cond3A_15 = arith.cmpi ne, %convert_element_type3A_13, %cond3A_14 : i32
    scf.if %cond3A_15 {
      %get3A_16 = arith.constant 0 : index
      %get3A_17 = arith.constant 0 : index
      %get3A_18 = vector.load %arg3[%get3A_16, %get3A_17] : memref<8x128xf32, #tpu.memory_space<vmem>>, vector<1x128xf32>
      %reduce_sum3A = vector.shape_cast %get3A_18 : vector<1x128xf32> to vector<1x1x128xf32>
      %reduce_sum3A_19 = arith.constant dense<0.000000e+00> : vector<1xf32>
      %reduce_sum3A_20 = vector.multi_reduction <add>, %reduce_sum3A, %reduce_sum3A_19 [1, 2] : vector<1x1x128xf32> to vector<1xf32>
      %reduce_sum3A_21 = vector.shape_cast %reduce_sum3A_20 : vector<1xf32> to vector<1x1x1xf32>
      %reduce_sum3A_22 = vector.extract %reduce_sum3A_21[0, 0, 0] : f32 from vector<1x1x1xf32>
      %reshape3A = vector.broadcast %reduce_sum3A_22 : f32 to vector<1x1xf32>
      %swap3A_23 = arith.constant 0 : index
      %swap3A_24 = arith.constant 0 : index
      %swap3A_25 = vector.load %arg2[%swap3A_23, %swap3A_24] : memref<1x1xf32, #tpu.memory_space<vmem>>, vector<1x1xf32>
      tpu.vector_store %arg2[%swap3A_23, %swap3A_24], %reshape3A {strides = array<i32>} : memref<1x1xf32, #tpu.memory_space<vmem>>, vector<1x1xf32>,
    } else {
    }
    return
  }
  func.func @transform_0(%arg0: i32) -> (i32, i32) {
    %c0_i32 = arith.constant 0 : i32
    %c0_i32_0 = arith.constant 0 : i32
    return %arg0, %c0_i32 : i32, i32
  }
  func.func @transform_1(%arg0: i32) -> (i32, i32) {
    %c0_i32 = arith.constant 0 : i32
    %c0_i32_0 = arith.constant 0 : i32
    %c0_i32_1 = arith.constant 0 : i32
    return %c0_i32, %c0_i32_0 : i32, i32
  }
}

</mosaic_0001>

<sc_bundles>
// kernel: kernel.4.cloned.1.call-start
scs
__scs_entry_jumppad:
0x0: {  	(pc) =	sbr.rel $0x88, $3  }
0x1: {  	(tag) =	ssettag $0x0;
	lr =	simm.s32 $0x1  }
0x2: {  	[smem:$0x3FA0] =	sst lr;
	_ =	strace $0xD0000000  }
0x3: {  	_ = 	snop  }
0x4: {  	_ = 	snop  }
0x5: {  	_ = 	snop  }
0x6: {  	_ = 	snop  }
0x7: {  	_ = 	snop  }
__scs_overlays_trampoline_lowered:
0x8: {  	[smem:$0x3FAF] =	sst s0  }
0x9: {  	[smem:$0x3FB0] =	sst s1  }
0xa: {  	[smem:$0x3FB1] =	sst s2  }
0xb: {  	[smem:$0x3FB2] =	sst s3  }
0xc: {  	[smem:$0x3FB3] =	sst s4  }
0xd: {  	[smem:$0x3FB4] =	sst s5  }
0xe: {  	[smem:$0x3FB5] =	sst s6  }
0xf: {  	[smem:$0x3FB6] =	sst s7  }
0x10: {  	[smem:$0x3FB7] =	sst s8  }
0x11: {  	[smem:$0x3FB8] =	sst s9;
	s0 =	simm.s32 @!p0 $0x0  }
0x12: {  	s1 =	sld [smem:$0x3F9E];
	s0 =	simm.s32 @p0 $0x1  }
0x13: {  	[smem:$0x3FB9] =	sst s0;
	s0 =	simm.s32 @!p1 $0x0  }
0x14: {  	s2 =	sld [smem:$0x3F9D];
	s0 =	simm.s32 @p1 $0x1  }
0x15: {  	[smem:$0x3FBA] =	sst s0;
	s0 =	simm.s32 @!p2 $0x0  }
0x16: {  	s3 =	sld [smem:$0x3FDB];
	s0 =	simm.s32 @p2 $0x1  }
0x17: {  	s4 =	simm.s32 $0x1BF5;
	[smem:$0x3FBC] =	sst s0  }
0x18: {  	s0 =	sld [smem:$0x3F9F];
	_ =	swait.ge [sflag:s4], $0x0  }
0x19: {  	s7 =	sld [smem:$0x3FA0]  }
0x1a: {  	s8 =	sadd.s32 $0xFFFFE003, lr  }
0x1b: {  	s9 =	sadd.s32 $0xFFFFFEF7, lr;
	s5 =	simm.s32 $0xFFFFFFFF;
	p2 =	slt.u32 s8, $0xFFFFF086  }
0x1c: {  	p1 =	slt.u32 s9, $0xF7A;
	s5 =	simm.s32 @!p2 $0x0  }
0x1d: {  	s5 =	simm.s32 @p1 $0x1;
	p0 =	seq.s32 s7, s2  }
0x1e: {  	s7 =	smul.u32 @!p0 $0xF7A, s2;
	p2 =	seq.s32 @!p0 s5, $0x0  }
0x1f: {  	s9 =	smul.u32 $0xF7A, s1;
	s8 =	simm.s32 @!p0 $0x1BF5;
	p2 =	por !p2, p0  }
0x20: {  	[sflag:s8] =	ssyncset.s32 @!p0 $0xFFFFF086;
	s6 =	sadd.s32 @!p0 s3, s7;
	s7 =	simm.s32 @!p0 $0x108  }
0x21: {  	s3 =	sadd.s32 s3, s9;
	s6 =	sadd.s32 @!p0 $0x88, s6;
	s7 =	simm.s32 @p2 $0x1082  }
0x22: {  	[simem:s7], [sflag:s8] =	dma.local @!p0 [hbm:s6], $0xF7A  }
0x23: {  	s9 =	sor.u32 $0xD0000000, s2;
	s6 =	simm.s32 $0x108;
	_ =	swait.ge @!p0 [sflag:s8], $0x0  }
0x24: {  	s3 =	sadd.s32 $0x88, s3;
	s6 =	simm.s32 @!p1 $0x1082;
	[sflag:s4] =	ssyncset.s32 $0xFFFFF086  }
0x25: {  	[simem:s6], [sflag:s4] =	dma.local [hbm:s3], $0xF7A  }
0x26: {  	[smem:$0x3FA0] =	sst s1;
	(tag) =	ssettag s2;
	_ =	strace s9  }
0x27: {  	s1 =	sld [smem:$0x3FB0]  }
0x28: {  	s2 =	sld [smem:$0x3FB1]  }
0x29: {  	s4 =	sld [smem:$0x3FB3]  }
0x2a: {  	p0 =	seq.s32 s5, $0x0;
	s5 =	sld [smem:$0x3FB4]  }
0x2b: {  	s6 =	sld [smem:$0x3FB5]  }
0x2c: {  	s7 =	sld [smem:$0x3FB6]  }
0x2d: {  	s3 =	simm.s32 $0x108;
	s8 =	sld [smem:$0x3FB7]  }
0x2e: {  	s3 =	simm.s32 @!p0 $0x1082;
	s9 =	sld [smem:$0x3FB8]  }
0x2f: {  	lr =	sadd.s32 s0, s3;
	s0 =	sld [smem:$0x3FAF]  }
0x30: {  	s3 =	sld [smem:$0x3FB2]  }
0x31: {  	[smem:$0x3FBB] =	sst s10  }
0x32: {  	s10 =	sld [smem:$0x3FB9];
	_ =	sdelay $0x3  }
0x33: {  	p0 =	seq.s32 s10, $0x1;
	s10 =	sld [smem:$0x3FBB];
	_ =	sdelay $0x3  }
0x34: {  	[smem:$0x3FBB] =	sst s10  }
0x35: {  	s10 =	sld [smem:$0x3FBA];
	_ =	sdelay $0x3  }
0x36: {  	p1 =	seq.s32 s10, $0x1;
	s10 =	sld [smem:$0x3FBB];
	_ =	sdelay $0x3  }
0x37: {  	[smem:$0x3FBB] =	sst s10  }
0x38: {  	s10 =	sld [smem:$0x3FBC]  }
0x39: {  	_ = 	snop;
	(pc) =	sbr.ind lr, $3  }
0x3a: {  	_ = 	snop  }
0x3b: {  	_ = 	snop  }
0x3c: {  	p2 =	seq.s32 s10, $0x1;
	s10 =	sld [smem:$0x3FBB]  }
0x3d: {  	_ =	shalt  }
0x3e: {  	_ =	shalt  }
0x3f: {  	_ =	shalt  }
0x40: {  	_ =	shalt  }
0x41: {  	_ =	shalt  }
0x42: {  	_ =	shalt  }
0x43: {  	_ =	shalt  }
0x44: {  	_ =	shalt  }
0x45: {  	_ =	shalt  }
0x46: {  	_ =	shalt  }
0x47: {  	_ =	shalt  }
0x48: {  	_ =	shalt  }
0x49: {  	_ =	shalt  }
0x4a: {  	_ =	shalt  }
0x4b: {  	_ =	shalt  }
0x4c: {  	_ =	shalt  }
0x4d: {  	_ =	shalt  }
0x4e: {  	_ =	shalt  }
0x4f: {  	_ =	shalt  }
0x50: {  	_ =	shalt  }
0x51: {  	_ =	shalt  }
0x52: {  	_ =	shalt  }
0x53: {  	_ =	shalt  }
0x54: {  	_ =	shalt  }
0x55: {  	_ =	shalt  }
0x56: {  	_ =	shalt  }
0x57: {  	_ =	shalt  }
0x58: {  	_ =	shalt  }
0x59: {  	_ =	shalt  }
0x5a: {  	_ =	shalt  }
0x5b: {  	_ =	shalt  }
0x5c: {  	_ =	shalt  }
0x5d: {  	_ =	shalt  }
0x5e: {  	_ =	shalt  }
0x5f: {  	_ =	shalt  }
0x60: {  	_ =	shalt  }
0x61: {  	_ =	shalt  }
0x62: {  	_ =	shalt  }
0x63: {  	_ =	shalt  }
0x64: {  	_ =	shalt  }
0x65: {  	_ =	shalt  }
0x66: {  	_ =	shalt  }
0x67: {  	_ =	shalt  }
0x68: {  	_ =	shalt  }
0x69: {  	_ =	shalt  }
0x6a: {  	_ =	shalt  }
0x6b: {  	_ =	shalt  }
0x6c: {  	_ =	shalt  }
0x6d: {  	_ =	shalt  }
0x6e: {  	_ =	shalt  }
0x6f: {  	_ =	shalt  }
0x70: {  	_ =	shalt  }
0x71: {  	_ =	shalt  }
0x72: {  	_ =	shalt  }
0x73: {  	_ =	shalt  }
0x74: {  	_ =	shalt  }
0x75: {  	_ =	shalt  }
0x76: {  	_ =	shalt  }
0x77: {  	_ =	shalt  }
0x78: {  	_ =	shalt  }
0x79: {  	_ =	shalt  }
0x7a: {  	_ =	shalt  }
0x7b: {  	_ =	shalt  }
0x7c: {  	_ =	shalt  }
0x7d: {  	_ =	shalt  }
0x7e: {  	_ =	shalt  }
0x7f: {  	_ =	shalt  }
0x80: {  	_ =	shalt  }
0x81: {  	_ =	shalt  }
0x82: {  	_ =	shalt  }
0x83: {  	_ =	shalt  }
0x84: {  	_ =	shalt  }
0x85: {  	_ =	shalt  }
0x86: {  	_ =	shalt  }
0x87: {  	_ =	shalt  }
.Lfunc_end0:
.L_simem_size_0:
called_computation_lowered:
.L_overlay_start_0:
0x88: {  	s2 =	sld [smem:$0x3FD9]  }
0x89: {  	s3 =	sld [smem:$0x3FFE];
	_ =	sdelay $0x1  }
0x8a: {  	s1 =	srdreg.scid  }
0x8b: {  	s0 =	sand.u32 $0x1, s1  }
0x8c: {  	s17 =	sshll.u32 s0, $0xA;
	s2 =	sadd.s32 s3, s2  }
0x8d: {  	s2 =	sadd.s32 s2, s17  }
0x8e: {  	[smem:$0x3FC7] =	sst s2  }
0x8f: {  	_ = 	snop  }
0x90: {  	s2 =	sld [smem:$0x3FC9];
	(tm) =	ssettm $0x1  }
0x91: {  	s18 =	sld [smem:$0x3FFB];
	_ =	sdelay $0x3  }
0x92: {  	_ =	strace s18  }
0x93: {  	s3 =	sld [smem:$0x3FFC];
	_ =	sdelay $0x3  }
0x94: {  	_ =	strace s3  }
0x95: {  	s3 =	sld [smem:$0x3FFD];
	_ =	sdelay $0x3  }
0x96: {  	_ =	strace s3  }
0x97: {  	_ =	strace $0x8FFFFFFF  }
0x98: {  	s19 =	sld [smem:$0x3FDB];
	_ =	sdelay $0x1  }
0x99: {  	s4 =	simm.s32 $_scs_section_size  }
0x9a: {  	s5 =	simm.s32 $_size__tile_overlayer_lowered;
	s6 =	simm.s32 $_tile_overlayer_lowered  }
0x9b: {  	s22 =	simm.s32 $0x1BFF;
	s21 =	sshll.u32 s6, $0x1;
	s3 =	sadd.s32 s4, s19  }
0x9c: {  	s7 =	simm.s32 $0x0;
	s20 =	sshll.u32 s5, $0x1;
	s5 =	sadd.s32 s21, s3  }
0x9d: {  	[timem:s7], [sflag:s22] =	dma.local [hbm:s5], s20  }
0x9e: {  	_ =	swait.ge [sflag:s22], s20  }
0x9f: {  	s4 =	ssub.s32 $0x0, s20;
	[sflag:s22] =	ssyncset.done $0x0  }
0xa0: {  	[sflag:s22] =	ssyncadd.s32 s4;
	_ =	sdelay $0x1  }
0xa1: {  	s23 =	simm.s32 $0x1B8B  }
0xa2: {  	_ =	swait.ge [sflag:s23], $0x1  }
0xa3: {  	[sflag:s23] =	ssyncset.done $0x0  }
0xa4: {  	s25 =	simm.s32 $0x1B8E;
	s24 =	sld [smem:$0x3FFE];
	[sflag:s23] =	ssyncadd.s32 $0xFFFFFFFF  }
0xa5: {  	s26 =	simm.s32 $execute0_lowered;
	[smem:$0x3FD2] =	sst s25  }
0xa6: {  	s5 =	sshll.u32 s26, $0x1;
	_ =	strace $0x80000046;
	[dreg:$0x1] =	wrdreg $0xFFFFFFFF  }
0xa7: {  	s28 =	simm.s32 $_size_execute0_lowered;
	s3 =	sadd.s32 s3, s5;
	[dreg:$0x0] =	wrdreg $0x0  }
0xa8: {  	s5 =	sshll.u32 s28, $0x1;
	[dreg:$0x2] =	wrdreg s3  }
0xa9: {  	[dreg:$0x3] =	wrdreg s5  }
0xaa: {  	[dreg:$0x4] =	wrdreg $0xC0  }
0xab: {  	_ =	task [dreg:s7], $0x5FFFF  }
0xac: {  	[dreg:$0x1] =	wrdreg $0xFFFFFFFF  }
0xad: {  	[dreg:$0x0] =	wrdreg $0x60  }
0xae: {  	[dreg:$0x2] =	wrdreg s2  }
0xaf: {  	[dreg:$0x3] =	wrdreg s24  }
0xb0: {  	[dreg:$0x4] =	wrdreg $0x85800  }
0xb1: {  	[dreg:$0x5] =	wrdreg $0x9  }
0xb2: {  	_ =	task.clear_ibuf [dreg:s7], $0x6FFFF;
	_ =	strace $0x90000046  }
0xb3: {  	s29 =	simm.s32 $0x9;
	_ =	strace $0x80000048  }
0xb4: {  	_ =	swait.ge [sflag:s29], $0x1  }
0xb5: {  	[sflag:s29] =	ssyncadd.s32 $0xFFFFFFFF  }
0xb6: {  	_ =	strace $0x90000048  }
0xb7: {  	_ =	sfence  }
0xb8: {  	s30 =	sld [smem:$0x0];
	_ =	sdelay $0x2  }
0xb9: {  	s31 =	sshll.u32 s1, $0xD;
	s1 =	sshrl.u32 s1, $0x2  }
0xba: {  	s3 =	sand.u32 $0x4000, s31;
	s1 =	sadd.s32 s1, s30  }
0xbb: {  	s0 =	sor.u32 s3, s0;
	s1 =	sshll.u32 s1, $0x11  }
0xbc: {  	s0 =	sor.u32 s1, s0  }
0xbd: {  	s0 =	sadd.s32 $0x8F2B, s0  }
0xbe: {  	[sflag:s0] =	ssyncadd.remote.s32 $0x1  }
0xbf: {  	_ =	sfence.sel $0xFFFF  }
0xc0: {  	[dreg:$0x0] =	wrdreg $0xFFFFFFFF;
	(pc) =	sbr.abs _section_cstart, $3  }
0xc1: {  	[dreg:$0x1] =	wrdreg $0xFFFFFFFF  }
0xc2: {  	_ =	task.clear_ibuf [dreg:s7], $0x2FFFF;
	_ =	strace $0x9FFFFFFF  }
0xc3: {  	(tm) =	ssettm $0x7FFFFFFF  }
tec
execute0_lowered:
.L_overlay_start_1:
0x0: {  	(tag) =	ssettag $0x1  }
0x1: {  	s3 =	rddreg [dreg:$0x0];
	s0 =	srdreg.scid  }
0x2: {  	s20 =	stileid.u32;
	s4 =	rddreg [dreg:$0x1]  }
0x3: {  	s1 =	rddreg [dreg:$0x2];
	s2 =	simm.s32 $0x0;
	s12 =	simm.s32 $0x3200  }
0x4: {  	s13 =	simm.s32 $0x4B00;
	s14 =	simm.s32 $0x6400;
	s15 =	simm.s32 $0x1  }
0x5: {  	s16 =	simm.s32 $0x2;
	s17 =	simm.s32 $0x3;
	s18 =	simm.s32 $0x4  }
0x6: {  	s19 =	simm.s32 $0x5;
	s21 =	simm.s32 $0x6;
	s22 =	simm.s32 $0x7D80  }
0x7: {  	s5 =	sand.u32 $0x1, s0;
	s30 =	sshll.u32 s20, $0x1;
	s0 =	rddreg [dreg:$0x3]  }
0x8: {  	s23 =	simm.s32 $0x0;
	[smem:$0x7FF] =	sst s2;
	s6 =	sor.u32 s5, s30  }
0x9: {  	s11 =	sshll.u32 s20, $0x7;
	p0 =	sne.s32 s20, $0x0;
	s6 =	smul.u32 $0x7D00, s6  }
0xa: {  	s20 =	simm.s32 $0x7D00;
	_ =	strace $0x80000047;
	s7 =	ssub.s32 $0x2, s5  }
.Ltmp0:
0xb: {  	s31 =	sshrl.u32 s7, $0x1;
	s6 =	sshrl.u32 s6, $0x3;
	(pc) =	sbr.rel .LBB2_1-.Ltmp0, $4  }
0xc: {  	s9 =	sadd.s32 s5, s4;
	s10 =	ssub.s32 s7, s31;
	s8 =	sadd.s32 s3, s6  }
0xd: {  	s9 =	sadd.s32 $0x800, s9;
	s10 =	smax.u32 s10, $0x1;
	s3 =	sadd.s32 $0x42680, s8  }
0xe: {  	s4 =	sadd.s32 $0x429A0, s8;
	s5 =	sadd.s32 $0x42CC0, s8;
	s6 =	sadd.s32 $0x42FE0, s8  }
0xf: {  	s7 =	sadd.s32 $0x43300, s8;
	s8 =	sadd.s32 s11, s1;
	s11 =	simm.s32 $0x1900  }
.LBB2_13:
0x10: {  	s23 =	sadd.s32 $0x1, s23  }
0x11: {  	p1 =	sne.s32 s23, s10  }
.Ltmp1:
0x12: {  	_ = 	snop;
	(pc) =	sbr.rel @!p1 .LBB2_14-.Ltmp1, $1  }
0x13: {  	_ =	sdelay $0x3  }
.LBB2_1:
0x14: {  	[tilespmem:s2], [sflag:$0x1] =	stream.linear.gather [hbm4b:s3+s2], $0x1900, $0x38;
	[tilespmem:$0x8590] =	vst v63  }
0x15: {  	_ = 	snop  }
0x16: {  	[tilespmem:s11], [sflag:$0x2] =	stream.linear.gather [hbm4b:s4+s2], $0x1900, $0x38;
	[tilespmem:$0x8590] =	vst v63  }
0x17: {  	_ = 	snop  }
0x18: {  	[tilespmem:s12], [sflag:$0x3] =	stream.linear.gather [hbm4b:s5+s2], $0x1900, $0x38;
	[tilespmem:$0x8590] =	vst v63  }
0x19: {  	_ = 	snop  }
0x1a: {  	[tilespmem:s13], [sflag:$0x4] =	stream.linear.gather [hbm4b:s6+s2], $0x1900, $0x38;
	[tilespmem:$0x8590] =	vst v63  }
0x1b: {  	_ = 	snop  }
0x1c: {  	[tilespmem:s14], [sflag:$0x5] =	stream.linear.gather [hbm4b:s7+s2], $0x1900, $0x38;
	[tilespmem:$0x8590] =	vst v63  }
0x1d: {  	_ =	swait.ge [sflag:s15], $0x1900  }
0x1e: {  	[sflag:s15] =	ssyncset.done $0x0  }
0x1f: {  	s25 =	simm.s32 $0x0;
	[sflag:s15] =	ssyncadd.s32 $0xFFFFE700  }
0x20: {  	v0 =	vld [tilespmem:s25+$0x40]  }
0x21: {  	v1 =	vld [tilespmem:s25+$0x0]  }
0x22: {  	v2 =	vld [tilespmem:s25+$0x10]  }
0x23: {  	v4 =	vimm.f32 $0.0e+00;
	v6 =	vimm.f32 $0.0e+00;
	v3 =	vld [tilespmem:s25+$0x20]  }
0x24: {  	s24 =	simm.s32 $0x140;
	v7 =	vimm.f32 $0.0e+00;
	v10 =	vimm.f32 $0.0e+00;
	v9 =	vimm.f32 $0.0e+00;
	v8 =	vld [tilespmem:s25+$0x30]  }
.LBB2_2:
0x25: {  	s25 =	sshra.s32 s24, $0x2;
	p1 =	sne.s32 s24, $0x62C0;
	s24 =	sadd.s32 $0x140, s24;
	v4 =	vadd.f32 v0, v4  }
.Ltmp2:
0x26: {  	v0 =	vld [tilespmem:s25+$0x40];
	v6 =	vadd.f32 v1, v6;
	(pc) =	sbr.rel @p1 .LBB2_2-.Ltmp2, $4  }
0x27: {  	v1 =	vld [tilespmem:s25+$0x0];
	v7 =	vadd.f32 v2, v7  }
0x28: {  	v2 =	vld [tilespmem:s25+$0x10];
	v10 =	vadd.f32 v3, v10  }
0x29: {  	v3 =	vld [tilespmem:s25+$0x20];
	v9 =	vadd.f32 v8, v9  }
0x2a: {  	v8 =	vld [tilespmem:s25+$0x30]  }
0x2b: {  	_ =	swait.ge [sflag:s16], $0x1900  }
0x2c: {  	[sflag:s16] =	ssyncset.done $0x0  }
0x2d: {  	s25 =	simm.s32 $0x0;
	[sflag:s16] =	ssyncadd.s32 $0xFFFFE700  }
0x2e: {  	v5 =	vld [tilespmem:s25+$0x1940]  }
0x2f: {  	v1 =	vadd.f32 v1, v6;
	v6 =	vld [tilespmem:s25+$0x1900]  }
0x30: {  	v0 =	vadd.f32 v0, v4;
	v11 =	vimm.f32 $0.0e+00;
	v2 =	vadd.f32 v2, v7;
	v7 =	vld [tilespmem:s25+$0x1910]  }
0x31: {  	v12 =	vimm.f32 $0.0e+00;
	v15 =	vimm.f32 $0.0e+00;
	v4 =	vadd.f32 v8, v9;
	v8 =	vld [tilespmem:s25+$0x1920]  }
0x32: {  	s24 =	simm.s32 $0x140;
	v14 =	vimm.f32 $0.0e+00;
	v3 =	vadd.f32 v3, v10;
	v13 =	vld [tilespmem:s25+$0x1930];
	v9 =	vimm.f32 $0.0e+00  }
.LBB2_4:
0x33: {  	s25 =	sshra.s32 s24, $0x2;
	p1 =	sne.s32 s24, $0x62C0;
	s24 =	sadd.s32 $0x140, s24;
	v9 =	vadd.f32 v5, v9  }
.Ltmp3:
0x34: {  	v5 =	vld [tilespmem:s25+$0x1940];
	v11 =	vadd.f32 v6, v11;
	(pc) =	sbr.rel @p1 .LBB2_4-.Ltmp3, $4  }
0x35: {  	v6 =	vld [tilespmem:s25+$0x1900];
	v12 =	vadd.f32 v7, v12  }
0x36: {  	v7 =	vld [tilespmem:s25+$0x1910];
	v15 =	vadd.f32 v8, v15  }
0x37: {  	v8 =	vld [tilespmem:s25+$0x1920];
	v14 =	vadd.f32 v13, v14  }
0x38: {  	v13 =	vld [tilespmem:s25+$0x1930]  }
0x39: {  	_ =	swait.ge [sflag:s17], $0x1900  }
0x3a: {  	[sflag:s17] =	ssyncset.done $0x0  }
0x3b: {  	s25 =	simm.s32 $0x0;
	[sflag:s17] =	ssyncadd.s32 $0xFFFFE700  }
0x3c: {  	v10 =	vld [tilespmem:s25+$0x3240]  }
0x3d: {  	v6 =	vadd.f32 v6, v11;
	v11 =	vld [tilespmem:s25+$0x3200]  }
0x3e: {  	v5 =	vadd.f32 v5, v9;
	v17 =	vimm.f32 $0.0e+00;
	v7 =	vadd.f32 v7, v12;
	v12 =	vld [tilespmem:s25+$0x3210]  }
0x3f: {  	v19 =	vimm.f32 $0.0e+00;
	v20 =	vimm.f32 $0.0e+00;
	v9 =	vadd.f32 v13, v14;
	v13 =	vld [tilespmem:s25+$0x3220]  }
0x40: {  	s24 =	simm.s32 $0x140;
	v18 =	vimm.f32 $0.0e+00;
	v8 =	vadd.f32 v8, v15;
	v15 =	vld [tilespmem:s25+$0x3230];
	v14 =	vimm.f32 $0.0e+00  }
.LBB2_6:
0x41: {  	s25 =	sshra.s32 s24, $0x2;
	p1 =	sne.s32 s24, $0x62C0;
	s24 =	sadd.s32 $0x140, s24;
	v14 =	vadd.f32 v10, v14  }
.Ltmp4:
0x42: {  	v10 =	vld [tilespmem:s25+$0x3240];
	v17 =	vadd.f32 v11, v17;
	(pc) =	sbr.rel @p1 .LBB2_6-.Ltmp4, $4  }
0x43: {  	v11 =	vld [tilespmem:s25+$0x3200];
	v19 =	vadd.f32 v12, v19  }
0x44: {  	v12 =	vld [tilespmem:s25+$0x3210];
	v20 =	vadd.f32 v13, v20  }
0x45: {  	v13 =	vld [tilespmem:s25+$0x3220];
	v18 =	vadd.f32 v15, v18  }
0x46: {  	v15 =	vld [tilespmem:s25+$0x3230]  }
0x47: {  	_ =	swait.ge [sflag:s18], $0x1900  }
0x48: {  	[sflag:s18] =	ssyncset.done $0x0  }
0x49: {  	s25 =	simm.s32 $0x0;
	[sflag:s18] =	ssyncadd.s32 $0xFFFFE700  }
0x4a: {  	v16 =	vld [tilespmem:s25+$0x4B40]  }
0x4b: {  	v11 =	vadd.f32 v11, v17;
	v17 =	vld [tilespmem:s25+$0x4B00]  }
0x4c: {  	v10 =	vadd.f32 v10, v14;
	v21 =	vimm.f32 $0.0e+00;
	v13 =	vadd.f32 v13, v20;
	v20 =	vld [tilespmem:s25+$0x4B10]  }
0x4d: {  	v25 =	vimm.f32 $0.0e+00;
	v24 =	vimm.f32 $0.0e+00;
	v12 =	vadd.f32 v12, v19;
	v22 =	vld [tilespmem:s25+$0x4B20]  }
0x4e: {  	s24 =	simm.s32 $0x140;
	v19 =	vimm.f32 $0.0e+00;
	v23 =	vld [tilespmem:s25+$0x4B30];
	v14 =	vadd.f32 v15, v18;
	v18 =	vimm.f32 $0.0e+00  }
.LBB2_8:
0x4f: {  	s25 =	sshra.s32 s24, $0x2;
	p1 =	sne.s32 s24, $0x62C0;
	s24 =	sadd.s32 $0x140, s24;
	v18 =	vadd.f32 v16, v18  }
.Ltmp5:
0x50: {  	v16 =	vld [tilespmem:s25+$0x4B40];
	v19 =	vadd.f32 v17, v19;
	(pc) =	sbr.rel @p1 .LBB2_8-.Ltmp5, $4  }
0x51: {  	v17 =	vld [tilespmem:s25+$0x4B00];
	v21 =	vadd.f32 v20, v21  }
0x52: {  	v20 =	vld [tilespmem:s25+$0x4B10];
	v25 =	vadd.f32 v22, v25  }
0x53: {  	v22 =	vld [tilespmem:s25+$0x4B20];
	v24 =	vadd.f32 v23, v24  }
0x54: {  	v23 =	vld [tilespmem:s25+$0x4B30]  }
0x55: {  	_ =	swait.ge [sflag:s19], $0x1900  }
0x56: {  	[sflag:s19] =	ssyncset.done $0x0  }
0x57: {  	s25 =	simm.s32 $0x0;
	[sflag:s19] =	ssyncadd.s32 $0xFFFFE700  }
0x58: {  	v15 =	vld [tilespmem:s25+$0x6440]  }
0x59: {  	v16 =	vadd.f32 v16, v18;
	v18 =	vld [tilespmem:s25+$0x6400]  }
0x5a: {  	v27 =	vimm.f32 $0.0e+00;
	v29 =	vimm.f32 $0.0e+00;
	v21 =	vadd.f32 v20, v21;
	v20 =	vld [tilespmem:s25+$0x6410]  }
0x5b: {  	v28 =	vimm.f32 $0.0e+00;
	v26 =	vimm.f32 $0.0e+00;
	v24 =	vadd.f32 v23, v24;
	v23 =	vld [tilespmem:s25+$0x6420]  }
0x5c: {  	s24 =	simm.s32 $0x140;
	v19 =	vadd.f32 v17, v19;
	v17 =	vimm.f32 $0.0e+00;
	v22 =	vadd.f32 v22, v25;
	v25 =	vld [tilespmem:s25+$0x6430]  }
.LBB2_10:
0x5d: {  	s25 =	sshra.s32 s24, $0x2;
	p1 =	sne.s32 s24, $0x62C0;
	s24 =	sadd.s32 $0x140, s24;
	v17 =	vadd.f32 v15, v17  }
.Ltmp6:
0x5e: {  	v15 =	vld [tilespmem:s25+$0x6440];
	v27 =	vadd.f32 v18, v27;
	(pc) =	sbr.rel @p1 .LBB2_10-.Ltmp6, $4  }
0x5f: {  	v18 =	vld [tilespmem:s25+$0x6400];
	v29 =	vadd.f32 v20, v29  }
0x60: {  	v20 =	vld [tilespmem:s25+$0x6410];
	v28 =	vadd.f32 v23, v28  }
0x61: {  	v23 =	vld [tilespmem:s25+$0x6420];
	v26 =	vadd.f32 v25, v26  }
0x62: {  	v25 =	vld [tilespmem:s25+$0x6430]  }
0x63: {  	v1 =	vadd.f32 $0.0e+00, v1;
	_ =	sdelay $0x1  }
0x64: {  	v1 =	vadd.f32 v2, v1;
	_ =	sdelay $0x1  }
0x65: {  	v1 =	vadd.f32 v3, v1;
	_ =	sdelay $0x1  }
0x66: {  	v1 =	vadd.f32 v4, v1;
	_ =	sdelay $0x1  }
0x67: {  	v0 =	vadd.f32 v0, v1;
	_ =	sdelay $0x1  }
0x68: {  	v0 =	vadd.f32 v6, v0;
	_ =	sdelay $0x1  }
0x69: {  	v0 =	vadd.f32 v7, v0;
	_ =	sdelay $0x1  }
0x6a: {  	v0 =	vadd.f32 v8, v0;
	_ =	sdelay $0x1  }
0x6b: {  	v0 =	vadd.f32 v9, v0;
	_ =	sdelay $0x1  }
0x6c: {  	v0 =	vadd.f32 v5, v0;
	_ =	sdelay $0x1  }
0x6d: {  	v0 =	vadd.f32 v11, v0;
	_ =	sdelay $0x1  }
0x6e: {  	v0 =	vadd.f32 v12, v0;
	_ =	sdelay $0x1  }
0x6f: {  	v0 =	vadd.f32 v13, v0;
	_ =	sdelay $0x1  }
0x70: {  	v0 =	vadd.f32 v14, v0;
	_ =	sdelay $0x1  }
0x71: {  	v0 =	vadd.f32 v10, v0;
	_ =	sdelay $0x1  }
0x72: {  	v0 =	vadd.f32 v19, v0;
	_ =	sdelay $0x1  }
0x73: {  	v0 =	vadd.f32 v21, v0;
	_ =	sdelay $0x1  }
0x74: {  	v0 =	vadd.f32 v22, v0;
	_ =	sdelay $0x1  }
0x75: {  	v0 =	vadd.f32 v24, v0;
	_ =	sdelay $0x1  }
0x76: {  	v59 =	vadd.f32 v18, v27;
	v0 =	vadd.f32 v16, v0;
	_ =	sdelay $0x1  }
0x77: {  	v60 =	vadd.f32 v20, v29;
	v0 =	vadd.f32 v59, v0;
	_ =	sdelay $0x1  }
0x78: {  	v61 =	vadd.f32 v23, v28;
	v0 =	vadd.f32 v60, v0;
	_ =	sdelay $0x1  }
0x79: {  	v62 =	vadd.f32 v25, v26;
	v0 =	vadd.f32 v61, v0;
	_ =	sdelay $0x1  }
0x7a: {  	v63 =	vadd.f32 v15, v17;
	v0 =	vadd.f32 v62, v0;
	_ =	sdelay $0x1  }
0x7b: {  	v0 =	vadd.f32 v63, v0;
	_ =	sdelay $0x1  }
0x7c: {  	[tilespmem:$0x7D00] =	vst v0  }
0x7d: {  	[spmem:s8] =	stream.linear.scatter [tilespmem:s20], [sflag:$0x6], $0x80, $0x38;
	[tilespmem:$0x8590] =	vst v63  }
.Ltmp7:
0x7e: {  	_ =	swait.ge [sflag:s21], $0x80;
	(pc) =	sbr.rel @p0 .LBB2_13-.Ltmp7, $3  }
0x7f: {  	[sflag:s21] =	ssyncset.done $0x0  }
0x80: {  	[sflag:s21] =	ssyncadd.s32 $0xFFFFFF80  }
0x81: {  	[bflag:$0x0] =	sbarrier.arrive $0xFFFF;
	_ =	sdelay $0x1  }
0x82: {  	[tilespmem:s22], [sflag:$0x6] =	stream.linear.gather [spmem:s1], $0x800, $0x38;
	[tilespmem:$0x8590] =	vst v63  }
0x83: {  	_ =	swait.ge [sflag:s21], $0x800  }
0x84: {  	[sflag:s21] =	ssyncset.done $0x0  }
0x85: {  	[sflag:s21] =	ssyncadd.s32 $0xFFFFF800  }
0x86: {  	v0 =	vld [tilespmem:$0x7D80]  }
0x87: {  	v1 =	vld [tilespmem:$0x7E00];
	_ =	sdelay $0x1  }
0x88: {  	v2 =	vld [tilespmem:$0x7E80];
	_ =	sdelay $0x1  }
0x89: {  	v3 =	vld [tilespmem:$0x7F00]  }
0x8a: {  	v0 =	vadd.f32 v1, v0  }
0x8b: {  	v51 =	vld [tilespmem:$0x7F80]  }
0x8c: {  	v0 =	vadd.f32 v2, v0  }
0x8d: {  	v52 =	vld [tilespmem:$0x8000]  }
0x8e: {  	v0 =	vadd.f32 v3, v0  }
0x8f: {  	v53 =	vld [tilespmem:$0x8080]  }
0x90: {  	v0 =	vadd.f32 v51, v0  }
0x91: {  	v54 =	vld [tilespmem:$0x8100]  }
0x92: {  	v0 =	vadd.f32 v52, v0  }
0x93: {  	v55 =	vld [tilespmem:$0x8180]  }
0x94: {  	v0 =	vadd.f32 v53, v0  }
0x95: {  	v56 =	vld [tilespmem:$0x8200]  }
0x96: {  	v0 =	vadd.f32 v54, v0  }
0x97: {  	v57 =	vld [tilespmem:$0x8280]  }
0x98: {  	v0 =	vadd.f32 v55, v0  }
0x99: {  	v58 =	vld [tilespmem:$0x8300]  }
0x9a: {  	v0 =	vadd.f32 v56, v0  }
0x9b: {  	v59 =	vld [tilespmem:$0x8380]  }
0x9c: {  	v0 =	vadd.f32 v57, v0  }
0x9d: {  	v60 =	vld [tilespmem:$0x8400]  }
0x9e: {  	v0 =	vadd.f32 v58, v0  }
0x9f: {  	v61 =	vld [tilespmem:$0x8480]  }
0xa0: {  	v0 =	vadd.f32 v59, v0  }
0xa1: {  	v62 =	vld [tilespmem:$0x8500]  }
0xa2: {  	v0 =	vadd.f32 v60, v0;
	_ =	sdelay $0x1  }
0xa3: {  	v0 =	vadd.f32 v61, v0;
	_ =	sdelay $0x1  }
0xa4: {  	v0 =	vadd.f32 v62, v0;
	_ =	sdelay $0x1  }
0xa5: {  	(v2sf) =	vpush v0, $0x0  }
0xa6: {  	(v2sf) =	vpush v0, $0x1;
	_ =	sdelay $0x1  }
0xa7: {  	(v2sf) =	vpush v0, $0x2;
	_ =	sdelay $0x1  }
0xa8: {  	(v2sf) =	vpush v0, $0x3;
	_ =	sdelay $0x1  }
0xa9: {  	(v2sf) =	vpush v0, $0x4;
	_ =	sdelay $0x1  }
0xaa: {  	(v2sf) =	vpush v0, $0x5;
	_ =	sdelay $0x1  }
0xab: {  	(v2sf) =	vpush v0, $0x6;
	_ =	sdelay $0x1  }
0xac: {  	(v2sf) =	vpush v0, $0x7;
	_ =	sdelay $0x1  }
0xad: {  	s24 =	spop (v2sf);
	(v2sf) =	vpush v0, $0x8  }
0xae: {  	s25 =	spop (v2sf)  }
0xaf: {  	(v2sf) =	vpush v0, $0x9;
	s24 =	sadd.f32 s25, s24  }
0xb0: {  	s28 =	spop (v2sf)  }
0xb1: {  	(v2sf) =	vpush v0, $0xA;
	s24 =	sadd.f32 s24, s28  }
0xb2: {  	s29 =	spop (v2sf)  }
0xb3: {  	(v2sf) =	vpush v0, $0xB;
	s24 =	sadd.f32 s24, s29  }
0xb4: {  	s30 =	spop (v2sf)  }
0xb5: {  	(v2sf) =	vpush v0, $0xC;
	s24 =	sadd.f32 s24, s30  }
0xb6: {  	s31 =	spop (v2sf)  }
0xb7: {  	(v2sf) =	vpush v0, $0xD;
	s24 =	sadd.f32 s24, s31  }
0xb8: {  	s26 =	spop (v2sf)  }
0xb9: {  	(v2sf) =	vpush v0, $0xE;
	s24 =	sadd.f32 s24, s26  }
0xba: {  	s28 =	spop (v2sf)  }
0xbb: {  	(v2sf) =	vpush v0, $0xF;
	s24 =	sadd.f32 s24, s28  }
0xbc: {  	s29 =	spop (v2sf)  }
0xbd: {  	s24 =	sadd.f32 s24, s29  }
0xbe: {  	s30 =	spop (v2sf)  }
0xbf: {  	s24 =	sadd.f32 s24, s30  }
0xc0: {  	s31 =	spop (v2sf)  }
0xc1: {  	s24 =	sadd.f32 s24, s31  }
0xc2: {  	s26 =	spop (v2sf)  }
0xc3: {  	s24 =	sadd.f32 s24, s26  }
0xc4: {  	s28 =	spop (v2sf)  }
0xc5: {  	s24 =	sadd.f32 s24, s28  }
0xc6: {  	s29 =	spop (v2sf)  }
0xc7: {  	s24 =	sadd.f32 s24, s29  }
0xc8: {  	s30 =	spop (v2sf)  }
0xc9: {  	s24 =	sadd.f32 s24, s30  }
0xca: {  	s31 =	spop (v2sf)  }
0xcb: {  	s24 =	sadd.f32 s24, s31;
	_ =	sdelay $0x1  }
0xcc: {  	v63 =	vmov s24  }
.Ltmp8:
0xcd: {  	[tilespmem:$0x7D00] =	vst v63;
	(pc) =	sbr.rel .LBB2_13-.Ltmp8, $4  }
0xce: {  	[hbm4b:s9+s2] =	stream.linear.scatter [tilespmem:s20], [sflag:$0x6], $0x8, $0x38;
	[tilespmem:$0x8590] =	vst v63  }
0xcf: {  	_ =	swait.ge [sflag:s21], $0x8  }
0xd0: {  	[sflag:s21] =	ssyncset.done $0x0  }
0xd1: {  	[sflag:s21] =	ssyncadd.s32 $0xFFFFFFF8  }
.LBB2_14:
0xd2: {  	_ =	sfence.sel $0x180000  }
0xd3: {  	[bflag:$0x0] =	sbarrier.arrive $0xFFFF  }
0xd4: {  	_ =	strace $0x90000047  }
0xd5: {  	s0 =	sadd.s32 @!p0 $0x100000, s0;
	[bflag:$0x2] =	sbarrier.arrive $0xFFFF  }
0xd6: {  	[sflag:s0] =	ssyncadd.tile.s32 @!p0 $0x1;
	_ =	shalt  }
.Lfunc_end2:
_tile_overlayer_lowered:
.L_overlay_start_2:
0xd7: {  	(tag) =	ssettag $0x2  }
0xd8: {  	s0 =	rddreg [dreg:$0x0];
	s2 =	stileid.u32  }
0xd9: {  	s1 =	rddreg [dreg:$0x1];
	p0 =	sne.s32 s2, $0x0  }
0xda: {  	s3 =	rddreg [dreg:$0x2];
	[bflag:$0x3] =	sbarrier.arrive $0xFFFF;
	s2 =	simm.s32 @!p0 $0x1C06  }
0xdb: {  	[timem:s3], [sflag:s2] =	dma.local @!p0 [hbm:s0], s1  }
0xdc: {  	s0 =	simm.s32 @!p0 $0x6  }
0xdd: {  	_ =	swait.ge @!p0 [sflag:s0], s1  }
0xde: {  	s1 =	ssub.s32 @!p0 $0x0, s1;
	[sflag:s0] =	ssyncset.done @!p0 $0x0  }
0xdf: {  	[sflag:s0] =	ssyncadd.s32 @!p0 s1  }
0xe0: {  	[bflag:$0x3] =	sbarrier.arrive $0xFFFF  }
0xe1: {  	_ =	shalt  }

</sc_bundles>
